<compile_context>
chip_gen: v7x
topology: tpu7x:2x2x1
jax: 0.10.2.dev20260603
libtpu: 0.0.44.dev20260713+nightly
codegen_flags: <defaults>
</compile_context>

<pallas_src>
import functools

import jax
import jax.numpy as jnp
from jax import lax
from jax.experimental import pallas as pl
from jax.experimental.pallas import tpu as pltpu
from jax.experimental.pallas import tpu_sc as plsc

BLOCKS = 12
B = 4
N = 1125
NUM_POINTS = 100
NUM_GT = 8
NUM_PATCH = N - NUM_POINTS - 1
P = BLOCKS * B
K_DISCARD = int(N * N * 0.1)
NB = 16

_NC, _NS, _L = 2, 16, 16
_NW = _NC * _NS


BISECT_STEPS = 0


N_PAD = 1152


def _threshold_body(x_ref, out_ref, xb_ref):
    out_ref[...] = jnp.full((1, 1, 16), x_ref[0, 0, 0], jnp.float32)


def _sc_body(maps_hbm, pos_hbm, thr_hbm, out_hbm, pos_v, thr_v, rows_v,
             acc_v, sem):
    wid = lax.axis_index("s") * _NC + lax.axis_index("c")
    b = wid // NUM_GT

    pltpu.sync_copy(pos_hbm, pos_v)
    pltpu.sync_copy(thr_hbm.at[b], thr_v)

    lane = lax.iota(jnp.int32, _L)
    half = jnp.where(wid < _L, pos_v[pl.ds(0, _L)], pos_v[pl.ds(_L, _L)])
    pos_s = jnp.sum(jnp.where(lane == wid % _L, half, 0))
    row = (N - NUM_POINTS) + pos_s

    copies = [
        pltpu.async_copy(maps_hbm.at[blk, b, row], rows_v.at[blk], sem)
        for blk in range(BLOCKS)
    ]
    for cp in copies:
        cp.wait()

    inv = jnp.float32(1.0 / BLOCKS)

    def body(ch, carry):
        col = lane + (1 + ch * _L)
        acc = jnp.zeros((_L,), jnp.float32)
        for blk in range(BLOCKS):
            v = plsc.load_gather(rows_v, [jnp.full((_L,), blk, jnp.int32), col])
            t = thr_v[blk]
            acc = acc + jnp.where(v >= t, v, jnp.float32(0.0))
        acc_v[pl.ds(ch * _L, _L)] = acc * inv
        return carry

    lax.fori_loop(0, NUM_PATCH // _L, body, 0)
    pltpu.sync_copy(acc_v, out_hbm.at[wid])


def _make_sc_gather():
    return functools.partial(
        pl.kernel,
        mesh=plsc.VectorSubcoreMesh(core_axis_name="c", subcore_axis_name="s"),
        compiler_params=pltpu.CompilerParams(needs_layout_passes=False),
        out_type=jax.ShapeDtypeStruct((_NW, NUM_PATCH), jnp.float32),
        scratch_types=[
            pltpu.VMEM((_NW,), jnp.int32),
            pltpu.VMEM((BLOCKS, 16), jnp.float32),
            pltpu.VMEM((BLOCKS, N), jnp.float32),
            pltpu.VMEM((NUM_PATCH,), jnp.float32),
            pltpu.SemaphoreType.DMA,
        ],
    )(_sc_body)


def kernel(attns_maps, pos_inds):
    maps48 = attns_maps.reshape(P, N, N)
    thr = pl.pallas_call(
        _threshold_body,
        grid=(P,),
        in_specs=[pl.BlockSpec((1, N, N), lambda p: (p, 0, 0))],
        out_specs=pl.BlockSpec((1, 1, 16), lambda p: (p, 0, 0)),
        out_shape=jax.ShapeDtypeStruct((P, 1, 16), jnp.float32),
        scratch_shapes=[pltpu.VMEM((N_PAD, N), jnp.bfloat16)],
    )(maps48)
    thr_sc = thr.reshape(BLOCKS, B, 16).swapaxes(0, 1)

    out = _make_sc_gather()(attns_maps, pos_inds.reshape(_NW), thr_sc)
    return out.reshape(B * NUM_GT, 1, NUM_PATCH)

# --- scband reference (transcript-rebuilt; emitter-appended) ---
"""Pipeline reference for scband-latent-scale-selection-head-28518582845720 (READ-ONLY COPY).

The authoritative reference and input builder live on the scoring server;
editing this copy changes nothing except your own understanding.
"""

import jax, jax.numpy as jnp
import numpy as np

BLOCKS = 12
B = 4
N = 1125
NUM_POINTS = 100
NUM_GT = 8
DISCARD = 0.1
NUM_PATCH = N - NUM_POINTS - 1  # 1024


def setup_inputs(seed: int = 0) -> dict:
    key = jax.random.key(seed)
    k1, k2 = jax.random.split(key)
    attns_maps = jax.random.uniform(k1, (BLOCKS, B, N, N), dtype=jnp.float32)
    pos_inds = jax.random.randint(k2, (B, NUM_GT), 0, NUM_POINTS, dtype=jnp.int32)
    return {"attns_maps": attns_maps, "pos_inds": pos_inds}


def reference(attns_maps, pos_inds):
    # --- filter branch: zero out the smallest `discard` fraction of each
    # flattened (N*N) attention map, per block, per image (topk masking) ---
    flat = attns_maps.reshape(BLOCKS, B, N * N)
    k = int(flat.shape[-1] * DISCARD)

    def mask_row(row):
        # torch: _, indices = flat.topk(k, -1, largest=False); flat[indices] = 0
        _, idx = jax.lax.top_k(-row, k)
        return row.at[idx].set(0.0)

    masked = jax.vmap(jax.vmap(mask_row))(flat)
    attns = masked.reshape(BLOCKS, B, N, N)

    # multiple=False -> just permute (batch, blocks, N, N)
    joint = jnp.transpose(attns, (1, 0, 2, 3))

    # scale_method == 'average' -> mean over blocks, keep scale dim of 1
    joint = jnp.mean(joint, axis=1, keepdims=True)  # (B, 1, N, N)

    # select point-token rows attending to patch tokens, gather matched points
    point_attn = joint[:, :, -NUM_POINTS:, 1:-NUM_POINTS]  # (B, 1, NUM_POINTS, NUM_PATCH)

    def gather_img(pa_img, inds):
        m = pa_img[:, inds]           # (1, NUM_GT, NUM_PATCH)
        return jnp.transpose(m, (1, 0, 2))  # (NUM_GT, 1, NUM_PATCH)

    cams = jax.vmap(gather_img)(point_attn, pos_inds)  # (B, NUM_GT, 1, NUM_PATCH)
    multiple_cams = cams.reshape(B * NUM_GT, 1, NUM_PATCH)
    return multiple_cams

if __name__ == "__main__":
    import jax
    _d = setup_inputs()
    print(jax.jit(kernel)(*tuple(_d.values())))

</pallas_src>

<mosaic_0001>
#map = affine_map<(d0, d1) -> (0, 0, 0, 0)>
#map1 = affine_map<(d0, d1) -> (0)>
#map2 = affine_map<(d0, d1) -> (0, 0, 0)>
#map3 = affine_map<(d0, d1) -> (0, 0)>
module attributes {stable_mosaic.version = 14 : i64} {
  func.func @_sc_body(%arg0: i32, %arg1: i32, %arg2: memref<12x4x1125x1125xf32, #tpu.memory_space<hbm>>, %arg3: memref<32xi32, #tpu.memory_space<hbm>>, %arg4: memref<4x12x16xf32, #tpu.memory_space<hbm>>, %arg5: memref<32x1024xf32, #tpu.memory_space<hbm>>, %arg6: memref<32xi32, #tpu.memory_space<vmem>>, %arg7: memref<12x16xf32, #tpu.memory_space<vmem>>, %arg8: memref<12x1125xf32, #tpu.memory_space<vmem>>, %arg9: memref<1024xf32, #tpu.memory_space<vmem>>, %arg10: memref<!tpu.dma_semaphore, #tpu.memory_space<semaphore_mem>>) attributes {dimension_semantics = [#tpu.dimension_semantics<core_parallel>, #tpu.dimension_semantics<subcore_parallel>], iteration_bounds = array<i64: 2, 16>, scalar_prefetch = 0 : i64, scratch_operands = 5 : i64, tpu.core_type = #tpu.core_type<sc_vector_subcore>, window_params = [{transform_indices = #map}, {transform_indices = #map1}, {transform_indices = #map2}, {transform_indices = #map3}]} {
    %mul3A = arith.constant 2 : i32
    %mul3A_0 = arith.muli %arg1, %mul3A : i32
    %add3A = arith.addi %mul3A_0, %arg0 : i32
    %jit3A = arith.constant 8 : i32
    %div3A = arith.divsi %add3A, %jit3A : i32
    %sign3A = arith.constant 0 : i32
    %sign3A_1 = arith.cmpi sgt, %add3A, %sign3A : i32
    %sign3A_2 = arith.extui %sign3A_1 : i1 to i32
    %sign3A_3 = arith.constant 0 : i32
    %sign3A_4 = arith.cmpi slt, %add3A, %sign3A_3 : i32
    %sign3A_5 = arith.extui %sign3A_4 : i1 to i32
    %sign3A_6 = arith.subi %sign3A_2, %sign3A_5 : i32
    %sign3A_7 = arith.constant 0 : i32
    %sign3A_8 = arith.cmpi sgt, %jit3A, %sign3A_7 : i32
    %sign3A_9 = arith.extui %sign3A_8 : i1 to i32
    %sign3A_10 = arith.constant 0 : i32
    %sign3A_11 = arith.cmpi slt, %jit3A, %sign3A_10 : i32
    %sign3A_12 = arith.extui %sign3A_11 : i1 to i32
    %sign3A_13 = arith.subi %sign3A_9, %sign3A_12 : i32
    %ne3A = arith.cmpi ne, %sign3A_6, %sign3A_13 : i32
    %rem3A = arith.remsi %add3A, %jit3A : i32
    %ne3A_14 = arith.constant 0 : i32
    %ne3A_15 = arith.cmpi ne, %rem3A, %ne3A_14 : i32
    %and3A = arith.andi %ne3A, %ne3A_15 : i1
    %sub3A = arith.constant 1 : i32
    %sub3A_16 = arith.subi %div3A, %sub3A : i32
    %select_n3A = arith.select %and3A, %sub3A_16, %div3A : i32
    "tpu.region"() ({
      %run_scoped3A = tpu.sem_alloc : memref<!tpu.dma_semaphore, #tpu.memory_space<semaphore_mem>>
      tpu.enqueue_dma source(%arg3 : memref<32xi32, #tpu.memory_space<hbm>>) target(%arg6 : memref<32xi32, #tpu.memory_space<vmem>>) target_semaphore(%run_scoped3A : memref<!tpu.dma_semaphore, #tpu.memory_space<semaphore_mem>>)
      tpu.wait_dma2 semaphore(%run_scoped3A : memref<!tpu.dma_semaphore, #tpu.memory_space<semaphore_mem>>) src(%arg3 : memref<32xi32, #tpu.memory_space<hbm>>) dst(%arg6 : memref<32xi32, #tpu.memory_space<vmem>>)
      tpu.yield
    }) : () -> ()
    "tpu.region"() ({
      %run_scoped3A = tpu.sem_alloc : memref<!tpu.dma_semaphore, #tpu.memory_space<semaphore_mem>>
      %dma_start3A_386 = arith.constant 0 : i32
      %dma_start3A_387 = arith.constant 0 : i32
      %dma_start3A_388 = tpu.memref_slice %arg4[%select_n3A, %dma_start3A_386, %dma_start3A_387] : memref<4x12x16xf32, #tpu.memory_space<hbm>> -> memref<1x12x16xf32, #tpu.memory_space<hbm>>
      %dma_start3A_389 = tpu.memref_squeeze %dma_start3A_388 : memref<1x12x16xf32, #tpu.memory_space<hbm>> -> memref<12x16xf32, #tpu.memory_space<hbm>>
      %dma_start3A_390 = arith.constant 0 : i32
      %dma_start3A_391 = arith.constant 0 : i32
      %dma_start3A_392 = tpu.memref_slice %arg4[%select_n3A, %dma_start3A_390, %dma_start3A_391] : memref<4x12x16xf32, #tpu.memory_space<hbm>> -> memref<1x12x16xf32, #tpu.memory_space<hbm>>
      %dma_start3A_393 = tpu.memref_squeeze %dma_start3A_392 : memref<1x12x16xf32, #tpu.memory_space<hbm>> -> memref<12x16xf32, #tpu.memory_space<hbm>>
      tpu.enqueue_dma source(%dma_start3A_393 : memref<12x16xf32, #tpu.memory_space<hbm>>) target(%arg7 : memref<12x16xf32, #tpu.memory_space<vmem>>) target_semaphore(%run_scoped3A : memref<!tpu.dma_semaphore, #tpu.memory_space<semaphore_mem>>)
      %dma_wait3A_394 = arith.constant 0 : i32
      %dma_wait3A_395 = arith.constant 0 : i32
      %dma_wait3A_396 = tpu.memref_slice %arg4[%select_n3A, %dma_wait3A_394, %dma_wait3A_395] : memref<4x12x16xf32, #tpu.memory_space<hbm>> -> memref<1x12x16xf32, #tpu.memory_space<hbm>>
      %dma_wait3A_397 = tpu.memref_squeeze %dma_wait3A_396 : memref<1x12x16xf32, #tpu.memory_space<hbm>> -> memref<12x16xf32, #tpu.memory_space<hbm>>
      %dma_wait3A_398 = arith.constant 0 : i32
      %dma_wait3A_399 = arith.constant 0 : i32
      %dma_wait3A_400 = tpu.memref_slice %arg4[%select_n3A, %dma_wait3A_398, %dma_wait3A_399] : memref<4x12x16xf32, #tpu.memory_space<hbm>> -> memref<1x12x16xf32, #tpu.memory_space<hbm>>
      %dma_wait3A_401 = tpu.memref_squeeze %dma_wait3A_400 : memref<1x12x16xf32, #tpu.memory_space<hbm>> -> memref<12x16xf32, #tpu.memory_space<hbm>>
      tpu.wait_dma2 semaphore(%run_scoped3A : memref<!tpu.dma_semaphore, #tpu.memory_space<semaphore_mem>>) src(%dma_wait3A_401 : memref<12x16xf32, #tpu.memory_space<hbm>>) dst(%arg7 : memref<12x16xf32, #tpu.memory_space<vmem>>)
      tpu.yield
    }) : () -> ()
    %iota3A = tpu.iota {dimensions = array<i32: 0>} : vector<16xi32>
    %lt3A = arith.constant 16 : i32
    %lt3A_17 = arith.cmpi slt, %add3A, %lt3A : i32
    %get3A = arith.constant 0 : index
    %get3A_18 = tpu.vector_load %arg6[%get3A] {strides = array<i32>} : memref<32xi32, #tpu.memory_space<vmem>>, vector<16xi32>,
    %get3A_19 = arith.constant 16 : index
    %get3A_20 = tpu.vector_load %arg6[%get3A_19] {strides = array<i32>} : memref<32xi32, #tpu.memory_space<vmem>>, vector<16xi32>,
    %select_n3A_21 = arith.select %lt3A_17, %get3A_18, %get3A_20 : vector<16xi32>
    %jit3A_22 = arith.constant 16 : i32
    %eq3A = arith.constant 0 : i32
    %eq3A_23 = arith.cmpi eq, %jit3A_22, %eq3A : i32
    %jit3A_24 = arith.constant 1 : i32
    %select_n3A_25 = arith.select %eq3A_23, %jit3A_24, %jit3A_22 : i32
    %rem3A_26 = arith.remsi %add3A, %select_n3A_25 : i32
    %ne3A_27 = arith.constant 0 : i32
    %ne3A_28 = arith.cmpi ne, %rem3A_26, %ne3A_27 : i32
    %lt3A_29 = arith.constant 0 : i32
    %lt3A_30 = arith.cmpi slt, %rem3A_26, %lt3A_29 : i32
    %lt3A_31 = arith.constant 0 : i32
    %lt3A_32 = arith.cmpi slt, %select_n3A_25, %lt3A_31 : i32
    %ne3A_33 = arith.xori %lt3A_30, %lt3A_32 : i1
    %and3A_34 = arith.andi %ne3A_33, %ne3A_28 : i1
    %add3A_35 = arith.addi %rem3A_26, %select_n3A_25 : i32
    %select_n3A_36 = arith.select %and3A_34, %add3A_35, %rem3A_26 : i32
    %eq3A_37 = vector.broadcast %select_n3A_36 : i32 to vector<16xi32>
    %eq3A_38 = arith.cmpi eq, %iota3A, %eq3A_37 : vector<16xi32>
    %jit3A_39 = arith.constant 0 : i32
    %broadcast_in_dim3A = vector.broadcast %jit3A_39 : i32 to vector<16xi32>
    %select_n3A_40 = arith.select %eq3A_38, %select_n3A_21, %broadcast_in_dim3A : vector<16xi1>, vector<16xi32>
    %reduce_sum3A = arith.constant true
    %reduce_sum3A_41 = vector.broadcast %reduce_sum3A : i1 to vector<16xi1>
    %reduce_sum3A_42 = tpu.scan <sum>, %select_n3A_40 masked %reduce_sum3A_41 : vector<16xi32>, vector<16xi1> -> vector<16xi32>
    %reduce_sum3A_43 = vector.extract %reduce_sum3A_42[15] : i32 from vector<16xi32>
    %add3A_44 = arith.constant 1025 : i32
    %add3A_45 = arith.addi %add3A_44, %reduce_sum3A_43 : i32
    %dma_start3A = arith.constant 0 : i32
    %dma_start3A_46 = arith.constant 0 : i32
    %dma_start3A_47 = arith.constant 0 : i32
    %dma_start3A_48 = tpu.memref_slice %arg8[%dma_start3A_46, %dma_start3A_47] : memref<12x1125xf32, #tpu.memory_space<vmem>> -> memref<1x1125xf32, #tpu.memory_space<vmem>>
    %dma_start3A_49 = tpu.memref_squeeze %dma_start3A_48 : memref<1x1125xf32, #tpu.memory_space<vmem>> -> memref<1125xf32, #tpu.memory_space<vmem>>
    %dma_start3A_50 = arith.constant 0 : i32
    %dma_start3A_51 = tpu.memref_slice %arg2[%dma_start3A, %select_n3A, %add3A_45, %dma_start3A_50] : memref<12x4x1125x1125xf32, #tpu.memory_space<hbm>> -> memref<1x1x1x1125xf32, #tpu.memory_space<hbm>>
    %dma_start3A_52 = tpu.memref_squeeze %dma_start3A_51 : memref<1x1x1x1125xf32, #tpu.memory_space<hbm>> -> memref<1125xf32, #tpu.memory_space<hbm>>
    %dma_start3A_53 = arith.constant 0 : i32
    %dma_start3A_54 = tpu.memref_slice %arg8[%dma_start3A_46, %dma_start3A_53] : memref<12x1125xf32, #tpu.memory_space<vmem>> -> memref<1x1125xf32, #tpu.memory_space<vmem>>
    %dma_start3A_55 = tpu.memref_squeeze %dma_start3A_54 : memref<1x1125xf32, #tpu.memory_space<vmem>> -> memref<1125xf32, #tpu.memory_space<vmem>>
    %dma_start3A_56 = arith.constant 0 : i32
    %dma_start3A_57 = tpu.memref_slice %arg2[%dma_start3A, %select_n3A, %add3A_45, %dma_start3A_56] : memref<12x4x1125x1125xf32, #tpu.memory_space<hbm>> -> memref<1x1x1x1125xf32, #tpu.memory_space<hbm>>
    %dma_start3A_58 = tpu.memref_squeeze %dma_start3A_57 : memref<1x1x1x1125xf32, #tpu.memory_space<hbm>> -> memref<1125xf32, #tpu.memory_space<hbm>>
    tpu.enqueue_dma source(%dma_start3A_58 : memref<1125xf32, #tpu.memory_space<hbm>>) target(%dma_start3A_55 : memref<1125xf32, #tpu.memory_space<vmem>>) target_semaphore(%arg10 : memref<!tpu.dma_semaphore, #tpu.memory_space<semaphore_mem>>)
    %dma_start3A_59 = arith.constant 1 : i32
    %dma_start3A_60 = arith.constant 1 : i32
    %dma_start3A_61 = arith.constant 0 : i32
    %dma_start3A_62 = tpu.memref_slice %arg8[%dma_start3A_60, %dma_start3A_61] : memref<12x1125xf32, #tpu.memory_space<vmem>> -> memref<1x1125xf32, #tpu.memory_space<vmem>>
    %dma_start3A_63 = tpu.memref_squeeze %dma_start3A_62 : memref<1x1125xf32, #tpu.memory_space<vmem>> -> memref<1125xf32, #tpu.memory_space<vmem>>
    %dma_start3A_64 = arith.constant 0 : i32
    %dma_start3A_65 = tpu.memref_slice %arg2[%dma_start3A_59, %select_n3A, %add3A_45, %dma_start3A_64] : memref<12x4x1125x1125xf32, #tpu.memory_space<hbm>> -> memref<1x1x1x1125xf32, #tpu.memory_space<hbm>>
    %dma_start3A_66 = tpu.memref_squeeze %dma_start3A_65 : memref<1x1x1x1125xf32, #tpu.memory_space<hbm>> -> memref<1125xf32, #tpu.memory_space<hbm>>
    %dma_start3A_67 = arith.constant 0 : i32
    %dma_start3A_68 = tpu.memref_slice %arg8[%dma_start3A_60, %dma_start3A_67] : memref<12x1125xf32, #tpu.memory_space<vmem>> -> memref<1x1125xf32, #tpu.memory_space<vmem>>
    %dma_start3A_69 = tpu.memref_squeeze %dma_start3A_68 : memref<1x1125xf32, #tpu.memory_space<vmem>> -> memref<1125xf32, #tpu.memory_space<vmem>>
    %dma_start3A_70 = arith.constant 0 : i32
    %dma_start3A_71 = tpu.memref_slice %arg2[%dma_start3A_59, %select_n3A, %add3A_45, %dma_start3A_70] : memref<12x4x1125x1125xf32, #tpu.memory_space<hbm>> -> memref<1x1x1x1125xf32, #tpu.memory_space<hbm>>
    %dma_start3A_72 = tpu.memref_squeeze %dma_start3A_71 : memref<1x1x1x1125xf32, #tpu.memory_space<hbm>> -> memref<1125xf32, #tpu.memory_space<hbm>>
    tpu.enqueue_dma source(%dma_start3A_72 : memref<1125xf32, #tpu.memory_space<hbm>>) target(%dma_start3A_69 : memref<1125xf32, #tpu.memory_space<vmem>>) target_semaphore(%arg10 : memref<!tpu.dma_semaphore, #tpu.memory_space<semaphore_mem>>)
    %dma_start3A_73 = arith.constant 2 : i32
    %dma_start3A_74 = arith.constant 2 : i32
    %dma_start3A_75 = arith.constant 0 : i32
    %dma_start3A_76 = tpu.memref_slice %arg8[%dma_start3A_74, %dma_start3A_75] : memref<12x1125xf32, #tpu.memory_space<vmem>> -> memref<1x1125xf32, #tpu.memory_space<vmem>>
    %dma_start3A_77 = tpu.memref_squeeze %dma_start3A_76 : memref<1x1125xf32, #tpu.memory_space<vmem>> -> memref<1125xf32, #tpu.memory_space<vmem>>
    %dma_start3A_78 = arith.constant 0 : i32
    %dma_start3A_79 = tpu.memref_slice %arg2[%dma_start3A_73, %select_n3A, %add3A_45, %dma_start3A_78] : memref<12x4x1125x1125xf32, #tpu.memory_space<hbm>> -> memref<1x1x1x1125xf32, #tpu.memory_space<hbm>>
    %dma_start3A_80 = tpu.memref_squeeze %dma_start3A_79 : memref<1x1x1x1125xf32, #tpu.memory_space<hbm>> -> memref<1125xf32, #tpu.memory_space<hbm>>
    %dma_start3A_81 = arith.constant 0 : i32
    %dma_start3A_82 = tpu.memref_slice %arg8[%dma_start3A_74, %dma_start3A_81] : memref<12x1125xf32, #tpu.memory_space<vmem>> -> memref<1x1125xf32, #tpu.memory_space<vmem>>
    %dma_start3A_83 = tpu.memref_squeeze %dma_start3A_82 : memref<1x1125xf32, #tpu.memory_space<vmem>> -> memref<1125xf32, #tpu.memory_space<vmem>>
    %dma_start3A_84 = arith.constant 0 : i32
    %dma_start3A_85 = tpu.memref_slice %arg2[%dma_start3A_73, %select_n3A, %add3A_45, %dma_start3A_84] : memref<12x4x1125x1125xf32, #tpu.memory_space<hbm>> -> memref<1x1x1x1125xf32, #tpu.memory_space<hbm>>
    %dma_start3A_86 = tpu.memref_squeeze %dma_start3A_85 : memref<1x1x1x1125xf32, #tpu.memory_space<hbm>> -> memref<1125xf32, #tpu.memory_space<hbm>>
    tpu.enqueue_dma source(%dma_start3A_86 : memref<1125xf32, #tpu.memory_space<hbm>>) target(%dma_start3A_83 : memref<1125xf32, #tpu.memory_space<vmem>>) target_semaphore(%arg10 : memref<!tpu.dma_semaphore, #tpu.memory_space<semaphore_mem>>)
    %dma_start3A_87 = arith.constant 3 : i32
    %dma_start3A_88 = arith.constant 3 : i32
    %dma_start3A_89 = arith.constant 0 : i32
    %dma_start3A_90 = tpu.memref_slice %arg8[%dma_start3A_88, %dma_start3A_89] : memref<12x1125xf32, #tpu.memory_space<vmem>> -> memref<1x1125xf32, #tpu.memory_space<vmem>>
    %dma_start3A_91 = tpu.memref_squeeze %dma_start3A_90 : memref<1x1125xf32, #tpu.memory_space<vmem>> -> memref<1125xf32, #tpu.memory_space<vmem>>
    %dma_start3A_92 = arith.constant 0 : i32
    %dma_start3A_93 = tpu.memref_slice %arg2[%dma_start3A_87, %select_n3A, %add3A_45, %dma_start3A_92] : memref<12x4x1125x1125xf32, #tpu.memory_space<hbm>> -> memref<1x1x1x1125xf32, #tpu.memory_space<hbm>>
    %dma_start3A_94 = tpu.memref_squeeze %dma_start3A_93 : memref<1x1x1x1125xf32, #tpu.memory_space<hbm>> -> memref<1125xf32, #tpu.memory_space<hbm>>
    %dma_start3A_95 = arith.constant 0 : i32
    %dma_start3A_96 = tpu.memref_slice %arg8[%dma_start3A_88, %dma_start3A_95] : memref<12x1125xf32, #tpu.memory_space<vmem>> -> memref<1x1125xf32, #tpu.memory_space<vmem>>
    %dma_start3A_97 = tpu.memref_squeeze %dma_start3A_96 : memref<1x1125xf32, #tpu.memory_space<vmem>> -> memref<1125xf32, #tpu.memory_space<vmem>>
    %dma_start3A_98 = arith.constant 0 : i32
    %dma_start3A_99 = tpu.memref_slice %arg2[%dma_start3A_87, %select_n3A, %add3A_45, %dma_start3A_98] : memref<12x4x1125x1125xf32, #tpu.memory_space<hbm>> -> memref<1x1x1x1125xf32, #tpu.memory_space<hbm>>
    %dma_start3A_100 = tpu.memref_squeeze %dma_start3A_99 : memref<1x1x1x1125xf32, #tpu.memory_space<hbm>> -> memref<1125xf32, #tpu.memory_space<hbm>>
    tpu.enqueue_dma source(%dma_start3A_100 : memref<1125xf32, #tpu.memory_space<hbm>>) target(%dma_start3A_97 : memref<1125xf32, #tpu.memory_space<vmem>>) target_semaphore(%arg10 : memref<!tpu.dma_semaphore, #tpu.memory_space<semaphore_mem>>)
    %dma_start3A_101 = arith.constant 4 : i32
    %dma_start3A_102 = arith.constant 4 : i32
    %dma_start3A_103 = arith.constant 0 : i32
    %dma_start3A_104 = tpu.memref_slice %arg8[%dma_start3A_102, %dma_start3A_103] : memref<12x1125xf32, #tpu.memory_space<vmem>> -> memref<1x1125xf32, #tpu.memory_space<vmem>>
    %dma_start3A_105 = tpu.memref_squeeze %dma_start3A_104 : memref<1x1125xf32, #tpu.memory_space<vmem>> -> memref<1125xf32, #tpu.memory_space<vmem>>
    %dma_start3A_106 = arith.constant 0 : i32
    %dma_start3A_107 = tpu.memref_slice %arg2[%dma_start3A_101, %select_n3A, %add3A_45, %dma_start3A_106] : memref<12x4x1125x1125xf32, #tpu.memory_space<hbm>> -> memref<1x1x1x1125xf32, #tpu.memory_space<hbm>>
    %dma_start3A_108 = tpu.memref_squeeze %dma_start3A_107 : memref<1x1x1x1125xf32, #tpu.memory_space<hbm>> -> memref<1125xf32, #tpu.memory_space<hbm>>
    %dma_start3A_109 = arith.constant 0 : i32
    %dma_start3A_110 = tpu.memref_slice %arg8[%dma_start3A_102, %dma_start3A_109] : memref<12x1125xf32, #tpu.memory_space<vmem>> -> memref<1x1125xf32, #tpu.memory_space<vmem>>
    %dma_start3A_111 = tpu.memref_squeeze %dma_start3A_110 : memref<1x1125xf32, #tpu.memory_space<vmem>> -> memref<1125xf32, #tpu.memory_space<vmem>>
    %dma_start3A_112 = arith.constant 0 : i32
    %dma_start3A_113 = tpu.memref_slice %arg2[%dma_start3A_101, %select_n3A, %add3A_45, %dma_start3A_112] : memref<12x4x1125x1125xf32, #tpu.memory_space<hbm>> -> memref<1x1x1x1125xf32, #tpu.memory_space<hbm>>
    %dma_start3A_114 = tpu.memref_squeeze %dma_start3A_113 : memref<1x1x1x1125xf32, #tpu.memory_space<hbm>> -> memref<1125xf32, #tpu.memory_space<hbm>>
    tpu.enqueue_dma source(%dma_start3A_114 : memref<1125xf32, #tpu.memory_space<hbm>>) target(%dma_start3A_111 : memref<1125xf32, #tpu.memory_space<vmem>>) target_semaphore(%arg10 : memref<!tpu.dma_semaphore, #tpu.memory_space<semaphore_mem>>)
    %dma_start3A_115 = arith.constant 5 : i32
    %dma_start3A_116 = arith.constant 5 : i32
    %dma_start3A_117 = arith.constant 0 : i32
    %dma_start3A_118 = tpu.memref_slice %arg8[%dma_start3A_116, %dma_start3A_117] : memref<12x1125xf32, #tpu.memory_space<vmem>> -> memref<1x1125xf32, #tpu.memory_space<vmem>>
    %dma_start3A_119 = tpu.memref_squeeze %dma_start3A_118 : memref<1x1125xf32, #tpu.memory_space<vmem>> -> memref<1125xf32, #tpu.memory_space<vmem>>
    %dma_start3A_120 = arith.constant 0 : i32
    %dma_start3A_121 = tpu.memref_slice %arg2[%dma_start3A_115, %select_n3A, %add3A_45, %dma_start3A_120] : memref<12x4x1125x1125xf32, #tpu.memory_space<hbm>> -> memref<1x1x1x1125xf32, #tpu.memory_space<hbm>>
    %dma_start3A_122 = tpu.memref_squeeze %dma_start3A_121 : memref<1x1x1x1125xf32, #tpu.memory_space<hbm>> -> memref<1125xf32, #tpu.memory_space<hbm>>
    %dma_start3A_123 = arith.constant 0 : i32
    %dma_start3A_124 = tpu.memref_slice %arg8[%dma_start3A_116, %dma_start3A_123] : memref<12x1125xf32, #tpu.memory_space<vmem>> -> memref<1x1125xf32, #tpu.memory_space<vmem>>
    %dma_start3A_125 = tpu.memref_squeeze %dma_start3A_124 : memref<1x1125xf32, #tpu.memory_space<vmem>> -> memref<1125xf32, #tpu.memory_space<vmem>>
    %dma_start3A_126 = arith.constant 0 : i32
    %dma_start3A_127 = tpu.memref_slice %arg2[%dma_start3A_115, %select_n3A, %add3A_45, %dma_start3A_126] : memref<12x4x1125x1125xf32, #tpu.memory_space<hbm>> -> memref<1x1x1x1125xf32, #tpu.memory_space<hbm>>
    %dma_start3A_128 = tpu.memref_squeeze %dma_start3A_127 : memref<1x1x1x1125xf32, #tpu.memory_space<hbm>> -> memref<1125xf32, #tpu.memory_space<hbm>>
    tpu.enqueue_dma source(%dma_start3A_128 : memref<1125xf32, #tpu.memory_space<hbm>>) target(%dma_start3A_125 : memref<1125xf32, #tpu.memory_space<vmem>>) target_semaphore(%arg10 : memref<!tpu.dma_semaphore, #tpu.memory_space<semaphore_mem>>)
    %dma_start3A_129 = arith.constant 6 : i32
    %dma_start3A_130 = arith.constant 6 : i32
    %dma_start3A_131 = arith.constant 0 : i32
    %dma_start3A_132 = tpu.memref_slice %arg8[%dma_start3A_130, %dma_start3A_131] : memref<12x1125xf32, #tpu.memory_space<vmem>> -> memref<1x1125xf32, #tpu.memory_space<vmem>>
    %dma_start3A_133 = tpu.memref_squeeze %dma_start3A_132 : memref<1x1125xf32, #tpu.memory_space<vmem>> -> memref<1125xf32, #tpu.memory_space<vmem>>
    %dma_start3A_134 = arith.constant 0 : i32
    %dma_start3A_135 = tpu.memref_slice %arg2[%dma_start3A_129, %select_n3A, %add3A_45, %dma_start3A_134] : memref<12x4x1125x1125xf32, #tpu.memory_space<hbm>> -> memref<1x1x1x1125xf32, #tpu.memory_space<hbm>>
    %dma_start3A_136 = tpu.memref_squeeze %dma_start3A_135 : memref<1x1x1x1125xf32, #tpu.memory_space<hbm>> -> memref<1125xf32, #tpu.memory_space<hbm>>
    %dma_start3A_137 = arith.constant 0 : i32
    %dma_start3A_138 = tpu.memref_slice %arg8[%dma_start3A_130, %dma_start3A_137] : memref<12x1125xf32, #tpu.memory_space<vmem>> -> memref<1x1125xf32, #tpu.memory_space<vmem>>
    %dma_start3A_139 = tpu.memref_squeeze %dma_start3A_138 : memref<1x1125xf32, #tpu.memory_space<vmem>> -> memref<1125xf32, #tpu.memory_space<vmem>>
    %dma_start3A_140 = arith.constant 0 : i32
    %dma_start3A_141 = tpu.memref_slice %arg2[%dma_start3A_129, %select_n3A, %add3A_45, %dma_start3A_140] : memref<12x4x1125x1125xf32, #tpu.memory_space<hbm>> -> memref<1x1x1x1125xf32, #tpu.memory_space<hbm>>
    %dma_start3A_142 = tpu.memref_squeeze %dma_start3A_141 : memref<1x1x1x1125xf32, #tpu.memory_space<hbm>> -> memref<1125xf32, #tpu.memory_space<hbm>>
    tpu.enqueue_dma source(%dma_start3A_142 : memref<1125xf32, #tpu.memory_space<hbm>>) target(%dma_start3A_139 : memref<1125xf32, #tpu.memory_space<vmem>>) target_semaphore(%arg10 : memref<!tpu.dma_semaphore, #tpu.memory_space<semaphore_mem>>)
    %dma_start3A_143 = arith.constant 7 : i32
    %dma_start3A_144 = arith.constant 7 : i32
    %dma_start3A_145 = arith.constant 0 : i32
    %dma_start3A_146 = tpu.memref_slice %arg8[%dma_start3A_144, %dma_start3A_145] : memref<12x1125xf32, #tpu.memory_space<vmem>> -> memref<1x1125xf32, #tpu.memory_space<vmem>>
    %dma_start3A_147 = tpu.memref_squeeze %dma_start3A_146 : memref<1x1125xf32, #tpu.memory_space<vmem>> -> memref<1125xf32, #tpu.memory_space<vmem>>
    %dma_start3A_148 = arith.constant 0 : i32
    %dma_start3A_149 = tpu.memref_slice %arg2[%dma_start3A_143, %select_n3A, %add3A_45, %dma_start3A_148] : memref<12x4x1125x1125xf32, #tpu.memory_space<hbm>> -> memref<1x1x1x1125xf32, #tpu.memory_space<hbm>>
    %dma_start3A_150 = tpu.memref_squeeze %dma_start3A_149 : memref<1x1x1x1125xf32, #tpu.memory_space<hbm>> -> memref<1125xf32, #tpu.memory_space<hbm>>
    %dma_start3A_151 = arith.constant 0 : i32
    %dma_start3A_152 = tpu.memref_slice %arg8[%dma_start3A_144, %dma_start3A_151] : memref<12x1125xf32, #tpu.memory_space<vmem>> -> memref<1x1125xf32, #tpu.memory_space<vmem>>
    %dma_start3A_153 = tpu.memref_squeeze %dma_start3A_152 : memref<1x1125xf32, #tpu.memory_space<vmem>> -> memref<1125xf32, #tpu.memory_space<vmem>>
    %dma_start3A_154 = arith.constant 0 : i32
    %dma_start3A_155 = tpu.memref_slice %arg2[%dma_start3A_143, %select_n3A, %add3A_45, %dma_start3A_154] : memref<12x4x1125x1125xf32, #tpu.memory_space<hbm>> -> memref<1x1x1x1125xf32, #tpu.memory_space<hbm>>
    %dma_start3A_156 = tpu.memref_squeeze %dma_start3A_155 : memref<1x1x1x1125xf32, #tpu.memory_space<hbm>> -> memref<1125xf32, #tpu.memory_space<hbm>>
    tpu.enqueue_dma source(%dma_start3A_156 : memref<1125xf32, #tpu.memory_space<hbm>>) target(%dma_start3A_153 : memref<1125xf32, #tpu.memory_space<vmem>>) target_semaphore(%arg10 : memref<!tpu.dma_semaphore, #tpu.memory_space<semaphore_mem>>)
    %dma_start3A_157 = arith.constant 8 : i32
    %dma_start3A_158 = arith.constant 8 : i32
    %dma_start3A_159 = arith.constant 0 : i32
    %dma_start3A_160 = tpu.memref_slice %arg8[%dma_start3A_158, %dma_start3A_159] : memref<12x1125xf32, #tpu.memory_space<vmem>> -> memref<1x1125xf32, #tpu.memory_space<vmem>>
    %dma_start3A_161 = tpu.memref_squeeze %dma_start3A_160 : memref<1x1125xf32, #tpu.memory_space<vmem>> -> memref<1125xf32, #tpu.memory_space<vmem>>
    %dma_start3A_162 = arith.constant 0 : i32
    %dma_start3A_163 = tpu.memref_slice %arg2[%dma_start3A_157, %select_n3A, %add3A_45, %dma_start3A_162] : memref<12x4x1125x1125xf32, #tpu.memory_space<hbm>> -> memref<1x1x1x1125xf32, #tpu.memory_space<hbm>>
    %dma_start3A_164 = tpu.memref_squeeze %dma_start3A_163 : memref<1x1x1x1125xf32, #tpu.memory_space<hbm>> -> memref<1125xf32, #tpu.memory_space<hbm>>
    %dma_start3A_165 = arith.constant 0 : i32
    %dma_start3A_166 = tpu.memref_slice %arg8[%dma_start3A_158, %dma_start3A_165] : memref<12x1125xf32, #tpu.memory_space<vmem>> -> memref<1x1125xf32, #tpu.memory_space<vmem>>
    %dma_start3A_167 = tpu.memref_squeeze %dma_start3A_166 : memref<1x1125xf32, #tpu.memory_space<vmem>> -> memref<1125xf32, #tpu.memory_space<vmem>>
    %dma_start3A_168 = arith.constant 0 : i32
    %dma_start3A_169 = tpu.memref_slice %arg2[%dma_start3A_157, %select_n3A, %add3A_45, %dma_start3A_168] : memref<12x4x1125x1125xf32, #tpu.memory_space<hbm>> -> memref<1x1x1x1125xf32, #tpu.memory_space<hbm>>
    %dma_start3A_170 = tpu.memref_squeeze %dma_start3A_169 : memref<1x1x1x1125xf32, #tpu.memory_space<hbm>> -> memref<1125xf32, #tpu.memory_space<hbm>>
    tpu.enqueue_dma source(%dma_start3A_170 : memref<1125xf32, #tpu.memory_space<hbm>>) target(%dma_start3A_167 : memref<1125xf32, #tpu.memory_space<vmem>>) target_semaphore(%arg10 : memref<!tpu.dma_semaphore, #tpu.memory_space<semaphore_mem>>)
    %dma_start3A_171 = arith.constant 9 : i32
    %dma_start3A_172 = arith.constant 9 : i32
    %dma_start3A_173 = arith.constant 0 : i32
    %dma_start3A_174 = tpu.memref_slice %arg8[%dma_start3A_172, %dma_start3A_173] : memref<12x1125xf32, #tpu.memory_space<vmem>> -> memref<1x1125xf32, #tpu.memory_space<vmem>>
    %dma_start3A_175 = tpu.memref_squeeze %dma_start3A_174 : memref<1x1125xf32, #tpu.memory_space<vmem>> -> memref<1125xf32, #tpu.memory_space<vmem>>
    %dma_start3A_176 = arith.constant 0 : i32
    %dma_start3A_177 = tpu.memref_slice %arg2[%dma_start3A_171, %select_n3A, %add3A_45, %dma_start3A_176] : memref<12x4x1125x1125xf32, #tpu.memory_space<hbm>> -> memref<1x1x1x1125xf32, #tpu.memory_space<hbm>>
    %dma_start3A_178 = tpu.memref_squeeze %dma_start3A_177 : memref<1x1x1x1125xf32, #tpu.memory_space<hbm>> -> memref<1125xf32, #tpu.memory_space<hbm>>
    %dma_start3A_179 = arith.constant 0 : i32
    %dma_start3A_180 = tpu.memref_slice %arg8[%dma_start3A_172, %dma_start3A_179] : memref<12x1125xf32, #tpu.memory_space<vmem>> -> memref<1x1125xf32, #tpu.memory_space<vmem>>
    %dma_start3A_181 = tpu.memref_squeeze %dma_start3A_180 : memref<1x1125xf32, #tpu.memory_space<vmem>> -> memref<1125xf32, #tpu.memory_space<vmem>>
    %dma_start3A_182 = arith.constant 0 : i32
    %dma_start3A_183 = tpu.memref_slice %arg2[%dma_start3A_171, %select_n3A, %add3A_45, %dma_start3A_182] : memref<12x4x1125x1125xf32, #tpu.memory_space<hbm>> -> memref<1x1x1x1125xf32, #tpu.memory_space<hbm>>
    %dma_start3A_184 = tpu.memref_squeeze %dma_start3A_183 : memref<1x1x1x1125xf32, #tpu.memory_space<hbm>> -> memref<1125xf32, #tpu.memory_space<hbm>>
    tpu.enqueue_dma source(%dma_start3A_184 : memref<1125xf32, #tpu.memory_space<hbm>>) target(%dma_start3A_181 : memref<1125xf32, #tpu.memory_space<vmem>>) target_semaphore(%arg10 : memref<!tpu.dma_semaphore, #tpu.memory_space<semaphore_mem>>)
    %dma_start3A_185 = arith.constant 10 : i32
    %dma_start3A_186 = arith.constant 10 : i32
    %dma_start3A_187 = arith.constant 0 : i32
    %dma_start3A_188 = tpu.memref_slice %arg8[%dma_start3A_186, %dma_start3A_187] : memref<12x1125xf32, #tpu.memory_space<vmem>> -> memref<1x1125xf32, #tpu.memory_space<vmem>>
    %dma_start3A_189 = tpu.memref_squeeze %dma_start3A_188 : memref<1x1125xf32, #tpu.memory_space<vmem>> -> memref<1125xf32, #tpu.memory_space<vmem>>
    %dma_start3A_190 = arith.constant 0 : i32
    %dma_start3A_191 = tpu.memref_slice %arg2[%dma_start3A_185, %select_n3A, %add3A_45, %dma_start3A_190] : memref<12x4x1125x1125xf32, #tpu.memory_space<hbm>> -> memref<1x1x1x1125xf32, #tpu.memory_space<hbm>>
    %dma_start3A_192 = tpu.memref_squeeze %dma_start3A_191 : memref<1x1x1x1125xf32, #tpu.memory_space<hbm>> -> memref<1125xf32, #tpu.memory_space<hbm>>
    %dma_start3A_193 = arith.constant 0 : i32
    %dma_start3A_194 = tpu.memref_slice %arg8[%dma_start3A_186, %dma_start3A_193] : memref<12x1125xf32, #tpu.memory_space<vmem>> -> memref<1x1125xf32, #tpu.memory_space<vmem>>
    %dma_start3A_195 = tpu.memref_squeeze %dma_start3A_194 : memref<1x1125xf32, #tpu.memory_space<vmem>> -> memref<1125xf32, #tpu.memory_space<vmem>>
    %dma_start3A_196 = arith.constant 0 : i32
    %dma_start3A_197 = tpu.memref_slice %arg2[%dma_start3A_185, %select_n3A, %add3A_45, %dma_start3A_196] : memref<12x4x1125x1125xf32, #tpu.memory_space<hbm>> -> memref<1x1x1x1125xf32, #tpu.memory_space<hbm>>
    %dma_start3A_198 = tpu.memref_squeeze %dma_start3A_197 : memref<1x1x1x1125xf32, #tpu.memory_space<hbm>> -> memref<1125xf32, #tpu.memory_space<hbm>>
    tpu.enqueue_dma source(%dma_start3A_198 : memref<1125xf32, #tpu.memory_space<hbm>>) target(%dma_start3A_195 : memref<1125xf32, #tpu.memory_space<vmem>>) target_semaphore(%arg10 : memref<!tpu.dma_semaphore, #tpu.memory_space<semaphore_mem>>)
    %dma_start3A_199 = arith.constant 11 : i32
    %dma_start3A_200 = arith.constant 11 : i32
    %dma_start3A_201 = arith.constant 0 : i32
    %dma_start3A_202 = tpu.memref_slice %arg8[%dma_start3A_200, %dma_start3A_201] : memref<12x1125xf32, #tpu.memory_space<vmem>> -> memref<1x1125xf32, #tpu.memory_space<vmem>>
    %dma_start3A_203 = tpu.memref_squeeze %dma_start3A_202 : memref<1x1125xf32, #tpu.memory_space<vmem>> -> memref<1125xf32, #tpu.memory_space<vmem>>
    %dma_start3A_204 = arith.constant 0 : i32
    %dma_start3A_205 = tpu.memref_slice %arg2[%dma_start3A_199, %select_n3A, %add3A_45, %dma_start3A_204] : memref<12x4x1125x1125xf32, #tpu.memory_space<hbm>> -> memref<1x1x1x1125xf32, #tpu.memory_space<hbm>>
    %dma_start3A_206 = tpu.memref_squeeze %dma_start3A_205 : memref<1x1x1x1125xf32, #tpu.memory_space<hbm>> -> memref<1125xf32, #tpu.memory_space<hbm>>
    %dma_start3A_207 = arith.constant 0 : i32
    %dma_start3A_208 = tpu.memref_slice %arg8[%dma_start3A_200, %dma_start3A_207] : memref<12x1125xf32, #tpu.memory_space<vmem>> -> memref<1x1125xf32, #tpu.memory_space<vmem>>
    %dma_start3A_209 = tpu.memref_squeeze %dma_start3A_208 : memref<1x1125xf32, #tpu.memory_space<vmem>> -> memref<1125xf32, #tpu.memory_space<vmem>>
    %dma_start3A_210 = arith.constant 0 : i32
    %dma_start3A_211 = tpu.memref_slice %arg2[%dma_start3A_199, %select_n3A, %add3A_45, %dma_start3A_210] : memref<12x4x1125x1125xf32, #tpu.memory_space<hbm>> -> memref<1x1x1x1125xf32, #tpu.memory_space<hbm>>
    %dma_start3A_212 = tpu.memref_squeeze %dma_start3A_211 : memref<1x1x1x1125xf32, #tpu.memory_space<hbm>> -> memref<1125xf32, #tpu.memory_space<hbm>>
    tpu.enqueue_dma source(%dma_start3A_212 : memref<1125xf32, #tpu.memory_space<hbm>>) target(%dma_start3A_209 : memref<1125xf32, #tpu.memory_space<vmem>>) target_semaphore(%arg10 : memref<!tpu.dma_semaphore, #tpu.memory_space<semaphore_mem>>)
    %dma_wait3A = arith.constant 0 : i32
    %dma_wait3A_213 = arith.constant 0 : i32
    %dma_wait3A_214 = arith.constant 0 : i32
    %dma_wait3A_215 = tpu.memref_slice %arg8[%dma_wait3A_213, %dma_wait3A_214] : memref<12x1125xf32, #tpu.memory_space<vmem>> -> memref<1x1125xf32, #tpu.memory_space<vmem>>
    %dma_wait3A_216 = tpu.memref_squeeze %dma_wait3A_215 : memref<1x1125xf32, #tpu.memory_space<vmem>> -> memref<1125xf32, #tpu.memory_space<vmem>>
    %dma_wait3A_217 = arith.constant 0 : i32
    %dma_wait3A_218 = tpu.memref_slice %arg2[%dma_wait3A, %select_n3A, %add3A_45, %dma_wait3A_217] : memref<12x4x1125x1125xf32, #tpu.memory_space<hbm>> -> memref<1x1x1x1125xf32, #tpu.memory_space<hbm>>
    %dma_wait3A_219 = tpu.memref_squeeze %dma_wait3A_218 : memref<1x1x1x1125xf32, #tpu.memory_space<hbm>> -> memref<1125xf32, #tpu.memory_space<hbm>>
    %dma_wait3A_220 = arith.constant 0 : i32
    %dma_wait3A_221 = tpu.memref_slice %arg8[%dma_wait3A_213, %dma_wait3A_220] : memref<12x1125xf32, #tpu.memory_space<vmem>> -> memref<1x1125xf32, #tpu.memory_space<vmem>>
    %dma_wait3A_222 = tpu.memref_squeeze %dma_wait3A_221 : memref<1x1125xf32, #tpu.memory_space<vmem>> -> memref<1125xf32, #tpu.memory_space<vmem>>
    %dma_wait3A_223 = arith.constant 0 : i32
    %dma_wait3A_224 = tpu.memref_slice %arg2[%dma_wait3A, %select_n3A, %add3A_45, %dma_wait3A_223] : memref<12x4x1125x1125xf32, #tpu.memory_space<hbm>> -> memref<1x1x1x1125xf32, #tpu.memory_space<hbm>>
    %dma_wait3A_225 = tpu.memref_squeeze %dma_wait3A_224 : memref<1x1x1x1125xf32, #tpu.memory_space<hbm>> -> memref<1125xf32, #tpu.memory_space<hbm>>
    tpu.wait_dma2 semaphore(%arg10 : memref<!tpu.dma_semaphore, #tpu.memory_space<semaphore_mem>>) src(%dma_wait3A_225 : memref<1125xf32, #tpu.memory_space<hbm>>) dst(%dma_wait3A_222 : memref<1125xf32, #tpu.memory_space<vmem>>)
    %dma_wait3A_226 = arith.constant 1 : i32
    %dma_wait3A_227 = arith.constant 1 : i32
    %dma_wait3A_228 = arith.constant 0 : i32
    %dma_wait3A_229 = tpu.memref_slice %arg8[%dma_wait3A_227, %dma_wait3A_228] : memref<12x1125xf32, #tpu.memory_space<vmem>> -> memref<1x1125xf32, #tpu.memory_space<vmem>>
    %dma_wait3A_230 = tpu.memref_squeeze %dma_wait3A_229 : memref<1x1125xf32, #tpu.memory_space<vmem>> -> memref<1125xf32, #tpu.memory_space<vmem>>
    %dma_wait3A_231 = arith.constant 0 : i32
    %dma_wait3A_232 = tpu.memref_slice %arg2[%dma_wait3A_226, %select_n3A, %add3A_45, %dma_wait3A_231] : memref<12x4x1125x1125xf32, #tpu.memory_space<hbm>> -> memref<1x1x1x1125xf32, #tpu.memory_space<hbm>>
    %dma_wait3A_233 = tpu.memref_squeeze %dma_wait3A_232 : memref<1x1x1x1125xf32, #tpu.memory_space<hbm>> -> memref<1125xf32, #tpu.memory_space<hbm>>
    %dma_wait3A_234 = arith.constant 0 : i32
    %dma_wait3A_235 = tpu.memref_slice %arg8[%dma_wait3A_227, %dma_wait3A_234] : memref<12x1125xf32, #tpu.memory_space<vmem>> -> memref<1x1125xf32, #tpu.memory_space<vmem>>
    %dma_wait3A_236 = tpu.memref_squeeze %dma_wait3A_235 : memref<1x1125xf32, #tpu.memory_space<vmem>> -> memref<1125xf32, #tpu.memory_space<vmem>>
    %dma_wait3A_237 = arith.constant 0 : i32
    %dma_wait3A_238 = tpu.memref_slice %arg2[%dma_wait3A_226, %select_n3A, %add3A_45, %dma_wait3A_237] : memref<12x4x1125x1125xf32, #tpu.memory_space<hbm>> -> memref<1x1x1x1125xf32, #tpu.memory_space<hbm>>
    %dma_wait3A_239 = tpu.memref_squeeze %dma_wait3A_238 : memref<1x1x1x1125xf32, #tpu.memory_space<hbm>> -> memref<1125xf32, #tpu.memory_space<hbm>>
    tpu.wait_dma2 semaphore(%arg10 : memref<!tpu.dma_semaphore, #tpu.memory_space<semaphore_mem>>) src(%dma_wait3A_239 : memref<1125xf32, #tpu.memory_space<hbm>>) dst(%dma_wait3A_236 : memref<1125xf32, #tpu.memory_space<vmem>>)
    %dma_wait3A_240 = arith.constant 2 : i32
    %dma_wait3A_241 = arith.constant 2 : i32
    %dma_wait3A_242 = arith.constant 0 : i32
    %dma_wait3A_243 = tpu.memref_slice %arg8[%dma_wait3A_241, %dma_wait3A_242] : memref<12x1125xf32, #tpu.memory_space<vmem>> -> memref<1x1125xf32, #tpu.memory_space<vmem>>
    %dma_wait3A_244 = tpu.memref_squeeze %dma_wait3A_243 : memref<1x1125xf32, #tpu.memory_space<vmem>> -> memref<1125xf32, #tpu.memory_space<vmem>>
    %dma_wait3A_245 = arith.constant 0 : i32
    %dma_wait3A_246 = tpu.memref_slice %arg2[%dma_wait3A_240, %select_n3A, %add3A_45, %dma_wait3A_245] : memref<12x4x1125x1125xf32, #tpu.memory_space<hbm>> -> memref<1x1x1x1125xf32, #tpu.memory_space<hbm>>
    %dma_wait3A_247 = tpu.memref_squeeze %dma_wait3A_246 : memref<1x1x1x1125xf32, #tpu.memory_space<hbm>> -> memref<1125xf32, #tpu.memory_space<hbm>>
    %dma_wait3A_248 = arith.constant 0 : i32
    %dma_wait3A_249 = tpu.memref_slice %arg8[%dma_wait3A_241, %dma_wait3A_248] : memref<12x1125xf32, #tpu.memory_space<vmem>> -> memref<1x1125xf32, #tpu.memory_space<vmem>>
    %dma_wait3A_250 = tpu.memref_squeeze %dma_wait3A_249 : memref<1x1125xf32, #tpu.memory_space<vmem>> -> memref<1125xf32, #tpu.memory_space<vmem>>
    %dma_wait3A_251 = arith.constant 0 : i32
    %dma_wait3A_252 = tpu.memref_slice %arg2[%dma_wait3A_240, %select_n3A, %add3A_45, %dma_wait3A_251] : memref<12x4x1125x1125xf32, #tpu.memory_space<hbm>> -> memref<1x1x1x1125xf32, #tpu.memory_space<hbm>>
    %dma_wait3A_253 = tpu.memref_squeeze %dma_wait3A_252 : memref<1x1x1x1125xf32, #tpu.memory_space<hbm>> -> memref<1125xf32, #tpu.memory_space<hbm>>
    tpu.wait_dma2 semaphore(%arg10 : memref<!tpu.dma_semaphore, #tpu.memory_space<semaphore_mem>>) src(%dma_wait3A_253 : memref<1125xf32, #tpu.memory_space<hbm>>) dst(%dma_wait3A_250 : memref<1125xf32, #tpu.memory_space<vmem>>)
    %dma_wait3A_254 = arith.constant 3 : i32
    %dma_wait3A_255 = arith.constant 3 : i32
    %dma_wait3A_256 = arith.constant 0 : i32
    %dma_wait3A_257 = tpu.memref_slice %arg8[%dma_wait3A_255, %dma_wait3A_256] : memref<12x1125xf32, #tpu.memory_space<vmem>> -> memref<1x1125xf32, #tpu.memory_space<vmem>>
    %dma_wait3A_258 = tpu.memref_squeeze %dma_wait3A_257 : memref<1x1125xf32, #tpu.memory_space<vmem>> -> memref<1125xf32, #tpu.memory_space<vmem>>
    %dma_wait3A_259 = arith.constant 0 : i32
    %dma_wait3A_260 = tpu.memref_slice %arg2[%dma_wait3A_254, %select_n3A, %add3A_45, %dma_wait3A_259] : memref<12x4x1125x1125xf32, #tpu.memory_space<hbm>> -> memref<1x1x1x1125xf32, #tpu.memory_space<hbm>>
    %dma_wait3A_261 = tpu.memref_squeeze %dma_wait3A_260 : memref<1x1x1x1125xf32, #tpu.memory_space<hbm>> -> memref<1125xf32, #tpu.memory_space<hbm>>
    %dma_wait3A_262 = arith.constant 0 : i32
    %dma_wait3A_263 = tpu.memref_slice %arg8[%dma_wait3A_255, %dma_wait3A_262] : memref<12x1125xf32, #tpu.memory_space<vmem>> -> memref<1x1125xf32, #tpu.memory_space<vmem>>
    %dma_wait3A_264 = tpu.memref_squeeze %dma_wait3A_263 : memref<1x1125xf32, #tpu.memory_space<vmem>> -> memref<1125xf32, #tpu.memory_space<vmem>>
    %dma_wait3A_265 = arith.constant 0 : i32
    %dma_wait3A_266 = tpu.memref_slice %arg2[%dma_wait3A_254, %select_n3A, %add3A_45, %dma_wait3A_265] : memref<12x4x1125x1125xf32, #tpu.memory_space<hbm>> -> memref<1x1x1x1125xf32, #tpu.memory_space<hbm>>
    %dma_wait3A_267 = tpu.memref_squeeze %dma_wait3A_266 : memref<1x1x1x1125xf32, #tpu.memory_space<hbm>> -> memref<1125xf32, #tpu.memory_space<hbm>>
    tpu.wait_dma2 semaphore(%arg10 : memref<!tpu.dma_semaphore, #tpu.memory_space<semaphore_mem>>) src(%dma_wait3A_267 : memref<1125xf32, #tpu.memory_space<hbm>>) dst(%dma_wait3A_264 : memref<1125xf32, #tpu.memory_space<vmem>>)
    %dma_wait3A_268 = arith.constant 4 : i32
    %dma_wait3A_269 = arith.constant 4 : i32
    %dma_wait3A_270 = arith.constant 0 : i32
    %dma_wait3A_271 = tpu.memref_slice %arg8[%dma_wait3A_269, %dma_wait3A_270] : memref<12x1125xf32, #tpu.memory_space<vmem>> -> memref<1x1125xf32, #tpu.memory_space<vmem>>
    %dma_wait3A_272 = tpu.memref_squeeze %dma_wait3A_271 : memref<1x1125xf32, #tpu.memory_space<vmem>> -> memref<1125xf32, #tpu.memory_space<vmem>>
    %dma_wait3A_273 = arith.constant 0 : i32
    %dma_wait3A_274 = tpu.memref_slice %arg2[%dma_wait3A_268, %select_n3A, %add3A_45, %dma_wait3A_273] : memref<12x4x1125x1125xf32, #tpu.memory_space<hbm>> -> memref<1x1x1x1125xf32, #tpu.memory_space<hbm>>
    %dma_wait3A_275 = tpu.memref_squeeze %dma_wait3A_274 : memref<1x1x1x1125xf32, #tpu.memory_space<hbm>> -> memref<1125xf32, #tpu.memory_space<hbm>>
    %dma_wait3A_276 = arith.constant 0 : i32
    %dma_wait3A_277 = tpu.memref_slice %arg8[%dma_wait3A_269, %dma_wait3A_276] : memref<12x1125xf32, #tpu.memory_space<vmem>> -> memref<1x1125xf32, #tpu.memory_space<vmem>>
    %dma_wait3A_278 = tpu.memref_squeeze %dma_wait3A_277 : memref<1x1125xf32, #tpu.memory_space<vmem>> -> memref<1125xf32, #tpu.memory_space<vmem>>
    %dma_wait3A_279 = arith.constant 0 : i32
    %dma_wait3A_280 = tpu.memref_slice %arg2[%dma_wait3A_268, %select_n3A, %add3A_45, %dma_wait3A_279] : memref<12x4x1125x1125xf32, #tpu.memory_space<hbm>> -> memref<1x1x1x1125xf32, #tpu.memory_space<hbm>>
    %dma_wait3A_281 = tpu.memref_squeeze %dma_wait3A_280 : memref<1x1x1x1125xf32, #tpu.memory_space<hbm>> -> memref<1125xf32, #tpu.memory_space<hbm>>
    tpu.wait_dma2 semaphore(%arg10 : memref<!tpu.dma_semaphore, #tpu.memory_space<semaphore_mem>>) src(%dma_wait3A_281 : memref<1125xf32, #tpu.memory_space<hbm>>) dst(%dma_wait3A_278 : memref<1125xf32, #tpu.memory_space<vmem>>)
    %dma_wait3A_282 = arith.constant 5 : i32
    %dma_wait3A_283 = arith.constant 5 : i32
    %dma_wait3A_284 = arith.constant 0 : i32
    %dma_wait3A_285 = tpu.memref_slice %arg8[%dma_wait3A_283, %dma_wait3A_284] : memref<12x1125xf32, #tpu.memory_space<vmem>> -> memref<1x1125xf32, #tpu.memory_space<vmem>>
    %dma_wait3A_286 = tpu.memref_squeeze %dma_wait3A_285 : memref<1x1125xf32, #tpu.memory_space<vmem>> -> memref<1125xf32, #tpu.memory_space<vmem>>
    %dma_wait3A_287 = arith.constant 0 : i32
    %dma_wait3A_288 = tpu.memref_slice %arg2[%dma_wait3A_282, %select_n3A, %add3A_45, %dma_wait3A_287] : memref<12x4x1125x1125xf32, #tpu.memory_space<hbm>> -> memref<1x1x1x1125xf32, #tpu.memory_space<hbm>>
    %dma_wait3A_289 = tpu.memref_squeeze %dma_wait3A_288 : memref<1x1x1x1125xf32, #tpu.memory_space<hbm>> -> memref<1125xf32, #tpu.memory_space<hbm>>
    %dma_wait3A_290 = arith.constant 0 : i32
    %dma_wait3A_291 = tpu.memref_slice %arg8[%dma_wait3A_283, %dma_wait3A_290] : memref<12x1125xf32, #tpu.memory_space<vmem>> -> memref<1x1125xf32, #tpu.memory_space<vmem>>
    %dma_wait3A_292 = tpu.memref_squeeze %dma_wait3A_291 : memref<1x1125xf32, #tpu.memory_space<vmem>> -> memref<1125xf32, #tpu.memory_space<vmem>>
    %dma_wait3A_293 = arith.constant 0 : i32
    %dma_wait3A_294 = tpu.memref_slice %arg2[%dma_wait3A_282, %select_n3A, %add3A_45, %dma_wait3A_293] : memref<12x4x1125x1125xf32, #tpu.memory_space<hbm>> -> memref<1x1x1x1125xf32, #tpu.memory_space<hbm>>
    %dma_wait3A_295 = tpu.memref_squeeze %dma_wait3A_294 : memref<1x1x1x1125xf32, #tpu.memory_space<hbm>> -> memref<1125xf32, #tpu.memory_space<hbm>>
    tpu.wait_dma2 semaphore(%arg10 : memref<!tpu.dma_semaphore, #tpu.memory_space<semaphore_mem>>) src(%dma_wait3A_295 : memref<1125xf32, #tpu.memory_space<hbm>>) dst(%dma_wait3A_292 : memref<1125xf32, #tpu.memory_space<vmem>>)
    %dma_wait3A_296 = arith.constant 6 : i32
    %dma_wait3A_297 = arith.constant 6 : i32
    %dma_wait3A_298 = arith.constant 0 : i32
    %dma_wait3A_299 = tpu.memref_slice %arg8[%dma_wait3A_297, %dma_wait3A_298] : memref<12x1125xf32, #tpu.memory_space<vmem>> -> memref<1x1125xf32, #tpu.memory_space<vmem>>
    %dma_wait3A_300 = tpu.memref_squeeze %dma_wait3A_299 : memref<1x1125xf32, #tpu.memory_space<vmem>> -> memref<1125xf32, #tpu.memory_space<vmem>>
    %dma_wait3A_301 = arith.constant 0 : i32
    %dma_wait3A_302 = tpu.memref_slice %arg2[%dma_wait3A_296, %select_n3A, %add3A_45, %dma_wait3A_301] : memref<12x4x1125x1125xf32, #tpu.memory_space<hbm>> -> memref<1x1x1x1125xf32, #tpu.memory_space<hbm>>
    %dma_wait3A_303 = tpu.memref_squeeze %dma_wait3A_302 : memref<1x1x1x1125xf32, #tpu.memory_space<hbm>> -> memref<1125xf32, #tpu.memory_space<hbm>>
    %dma_wait3A_304 = arith.constant 0 : i32
    %dma_wait3A_305 = tpu.memref_slice %arg8[%dma_wait3A_297, %dma_wait3A_304] : memref<12x1125xf32, #tpu.memory_space<vmem>> -> memref<1x1125xf32, #tpu.memory_space<vmem>>
    %dma_wait3A_306 = tpu.memref_squeeze %dma_wait3A_305 : memref<1x1125xf32, #tpu.memory_space<vmem>> -> memref<1125xf32, #tpu.memory_space<vmem>>
    %dma_wait3A_307 = arith.constant 0 : i32
    %dma_wait3A_308 = tpu.memref_slice %arg2[%dma_wait3A_296, %select_n3A, %add3A_45, %dma_wait3A_307] : memref<12x4x1125x1125xf32, #tpu.memory_space<hbm>> -> memref<1x1x1x1125xf32, #tpu.memory_space<hbm>>
    %dma_wait3A_309 = tpu.memref_squeeze %dma_wait3A_308 : memref<1x1x1x1125xf32, #tpu.memory_space<hbm>> -> memref<1125xf32, #tpu.memory_space<hbm>>
    tpu.wait_dma2 semaphore(%arg10 : memref<!tpu.dma_semaphore, #tpu.memory_space<semaphore_mem>>) src(%dma_wait3A_309 : memref<1125xf32, #tpu.memory_space<hbm>>) dst(%dma_wait3A_306 : memref<1125xf32, #tpu.memory_space<vmem>>)
    %dma_wait3A_310 = arith.constant 7 : i32
    %dma_wait3A_311 = arith.constant 7 : i32
    %dma_wait3A_312 = arith.constant 0 : i32
    %dma_wait3A_313 = tpu.memref_slice %arg8[%dma_wait3A_311, %dma_wait3A_312] : memref<12x1125xf32, #tpu.memory_space<vmem>> -> memref<1x1125xf32, #tpu.memory_space<vmem>>
    %dma_wait3A_314 = tpu.memref_squeeze %dma_wait3A_313 : memref<1x1125xf32, #tpu.memory_space<vmem>> -> memref<1125xf32, #tpu.memory_space<vmem>>
    %dma_wait3A_315 = arith.constant 0 : i32
    %dma_wait3A_316 = tpu.memref_slice %arg2[%dma_wait3A_310, %select_n3A, %add3A_45, %dma_wait3A_315] : memref<12x4x1125x1125xf32, #tpu.memory_space<hbm>> -> memref<1x1x1x1125xf32, #tpu.memory_space<hbm>>
    %dma_wait3A_317 = tpu.memref_squeeze %dma_wait3A_316 : memref<1x1x1x1125xf32, #tpu.memory_space<hbm>> -> memref<1125xf32, #tpu.memory_space<hbm>>
    %dma_wait3A_318 = arith.constant 0 : i32
    %dma_wait3A_319 = tpu.memref_slice %arg8[%dma_wait3A_311, %dma_wait3A_318] : memref<12x1125xf32, #tpu.memory_space<vmem>> -> memref<1x1125xf32, #tpu.memory_space<vmem>>
    %dma_wait3A_320 = tpu.memref_squeeze %dma_wait3A_319 : memref<1x1125xf32, #tpu.memory_space<vmem>> -> memref<1125xf32, #tpu.memory_space<vmem>>
    %dma_wait3A_321 = arith.constant 0 : i32
    %dma_wait3A_322 = tpu.memref_slice %arg2[%dma_wait3A_310, %select_n3A, %add3A_45, %dma_wait3A_321] : memref<12x4x1125x1125xf32, #tpu.memory_space<hbm>> -> memref<1x1x1x1125xf32, #tpu.memory_space<hbm>>
    %dma_wait3A_323 = tpu.memref_squeeze %dma_wait3A_322 : memref<1x1x1x1125xf32, #tpu.memory_space<hbm>> -> memref<1125xf32, #tpu.memory_space<hbm>>
    tpu.wait_dma2 semaphore(%arg10 : memref<!tpu.dma_semaphore, #tpu.memory_space<semaphore_mem>>) src(%dma_wait3A_323 : memref<1125xf32, #tpu.memory_space<hbm>>) dst(%dma_wait3A_320 : memref<1125xf32, #tpu.memory_space<vmem>>)
    %dma_wait3A_324 = arith.constant 8 : i32
    %dma_wait3A_325 = arith.constant 8 : i32
    %dma_wait3A_326 = arith.constant 0 : i32
    %dma_wait3A_327 = tpu.memref_slice %arg8[%dma_wait3A_325, %dma_wait3A_326] : memref<12x1125xf32, #tpu.memory_space<vmem>> -> memref<1x1125xf32, #tpu.memory_space<vmem>>
    %dma_wait3A_328 = tpu.memref_squeeze %dma_wait3A_327 : memref<1x1125xf32, #tpu.memory_space<vmem>> -> memref<1125xf32, #tpu.memory_space<vmem>>
    %dma_wait3A_329 = arith.constant 0 : i32
    %dma_wait3A_330 = tpu.memref_slice %arg2[%dma_wait3A_324, %select_n3A, %add3A_45, %dma_wait3A_329] : memref<12x4x1125x1125xf32, #tpu.memory_space<hbm>> -> memref<1x1x1x1125xf32, #tpu.memory_space<hbm>>
    %dma_wait3A_331 = tpu.memref_squeeze %dma_wait3A_330 : memref<1x1x1x1125xf32, #tpu.memory_space<hbm>> -> memref<1125xf32, #tpu.memory_space<hbm>>
    %dma_wait3A_332 = arith.constant 0 : i32
    %dma_wait3A_333 = tpu.memref_slice %arg8[%dma_wait3A_325, %dma_wait3A_332] : memref<12x1125xf32, #tpu.memory_space<vmem>> -> memref<1x1125xf32, #tpu.memory_space<vmem>>
    %dma_wait3A_334 = tpu.memref_squeeze %dma_wait3A_333 : memref<1x1125xf32, #tpu.memory_space<vmem>> -> memref<1125xf32, #tpu.memory_space<vmem>>
    %dma_wait3A_335 = arith.constant 0 : i32
    %dma_wait3A_336 = tpu.memref_slice %arg2[%dma_wait3A_324, %select_n3A, %add3A_45, %dma_wait3A_335] : memref<12x4x1125x1125xf32, #tpu.memory_space<hbm>> -> memref<1x1x1x1125xf32, #tpu.memory_space<hbm>>
    %dma_wait3A_337 = tpu.memref_squeeze %dma_wait3A_336 : memref<1x1x1x1125xf32, #tpu.memory_space<hbm>> -> memref<1125xf32, #tpu.memory_space<hbm>>
    tpu.wait_dma2 semaphore(%arg10 : memref<!tpu.dma_semaphore, #tpu.memory_space<semaphore_mem>>) src(%dma_wait3A_337 : memref<1125xf32, #tpu.memory_space<hbm>>) dst(%dma_wait3A_334 : memref<1125xf32, #tpu.memory_space<vmem>>)
    %dma_wait3A_338 = arith.constant 9 : i32
    %dma_wait3A_339 = arith.constant 9 : i32
    %dma_wait3A_340 = arith.constant 0 : i32
    %dma_wait3A_341 = tpu.memref_slice %arg8[%dma_wait3A_339, %dma_wait3A_340] : memref<12x1125xf32, #tpu.memory_space<vmem>> -> memref<1x1125xf32, #tpu.memory_space<vmem>>
    %dma_wait3A_342 = tpu.memref_squeeze %dma_wait3A_341 : memref<1x1125xf32, #tpu.memory_space<vmem>> -> memref<1125xf32, #tpu.memory_space<vmem>>
    %dma_wait3A_343 = arith.constant 0 : i32
    %dma_wait3A_344 = tpu.memref_slice %arg2[%dma_wait3A_338, %select_n3A, %add3A_45, %dma_wait3A_343] : memref<12x4x1125x1125xf32, #tpu.memory_space<hbm>> -> memref<1x1x1x1125xf32, #tpu.memory_space<hbm>>
    %dma_wait3A_345 = tpu.memref_squeeze %dma_wait3A_344 : memref<1x1x1x1125xf32, #tpu.memory_space<hbm>> -> memref<1125xf32, #tpu.memory_space<hbm>>
    %dma_wait3A_346 = arith.constant 0 : i32
    %dma_wait3A_347 = tpu.memref_slice %arg8[%dma_wait3A_339, %dma_wait3A_346] : memref<12x1125xf32, #tpu.memory_space<vmem>> -> memref<1x1125xf32, #tpu.memory_space<vmem>>
    %dma_wait3A_348 = tpu.memref_squeeze %dma_wait3A_347 : memref<1x1125xf32, #tpu.memory_space<vmem>> -> memref<1125xf32, #tpu.memory_space<vmem>>
    %dma_wait3A_349 = arith.constant 0 : i32
    %dma_wait3A_350 = tpu.memref_slice %arg2[%dma_wait3A_338, %select_n3A, %add3A_45, %dma_wait3A_349] : memref<12x4x1125x1125xf32, #tpu.memory_space<hbm>> -> memref<1x1x1x1125xf32, #tpu.memory_space<hbm>>
    %dma_wait3A_351 = tpu.memref_squeeze %dma_wait3A_350 : memref<1x1x1x1125xf32, #tpu.memory_space<hbm>> -> memref<1125xf32, #tpu.memory_space<hbm>>
    tpu.wait_dma2 semaphore(%arg10 : memref<!tpu.dma_semaphore, #tpu.memory_space<semaphore_mem>>) src(%dma_wait3A_351 : memref<1125xf32, #tpu.memory_space<hbm>>) dst(%dma_wait3A_348 : memref<1125xf32, #tpu.memory_space<vmem>>)
    %dma_wait3A_352 = arith.constant 10 : i32
    %dma_wait3A_353 = arith.constant 10 : i32
    %dma_wait3A_354 = arith.constant 0 : i32
    %dma_wait3A_355 = tpu.memref_slice %arg8[%dma_wait3A_353, %dma_wait3A_354] : memref<12x1125xf32, #tpu.memory_space<vmem>> -> memref<1x1125xf32, #tpu.memory_space<vmem>>
    %dma_wait3A_356 = tpu.memref_squeeze %dma_wait3A_355 : memref<1x1125xf32, #tpu.memory_space<vmem>> -> memref<1125xf32, #tpu.memory_space<vmem>>
    %dma_wait3A_357 = arith.constant 0 : i32
    %dma_wait3A_358 = tpu.memref_slice %arg2[%dma_wait3A_352, %select_n3A, %add3A_45, %dma_wait3A_357] : memref<12x4x1125x1125xf32, #tpu.memory_space<hbm>> -> memref<1x1x1x1125xf32, #tpu.memory_space<hbm>>
    %dma_wait3A_359 = tpu.memref_squeeze %dma_wait3A_358 : memref<1x1x1x1125xf32, #tpu.memory_space<hbm>> -> memref<1125xf32, #tpu.memory_space<hbm>>
    %dma_wait3A_360 = arith.constant 0 : i32
    %dma_wait3A_361 = tpu.memref_slice %arg8[%dma_wait3A_353, %dma_wait3A_360] : memref<12x1125xf32, #tpu.memory_space<vmem>> -> memref<1x1125xf32, #tpu.memory_space<vmem>>
    %dma_wait3A_362 = tpu.memref_squeeze %dma_wait3A_361 : memref<1x1125xf32, #tpu.memory_space<vmem>> -> memref<1125xf32, #tpu.memory_space<vmem>>
    %dma_wait3A_363 = arith.constant 0 : i32
    %dma_wait3A_364 = tpu.memref_slice %arg2[%dma_wait3A_352, %select_n3A, %add3A_45, %dma_wait3A_363] : memref<12x4x1125x1125xf32, #tpu.memory_space<hbm>> -> memref<1x1x1x1125xf32, #tpu.memory_space<hbm>>
    %dma_wait3A_365 = tpu.memref_squeeze %dma_wait3A_364 : memref<1x1x1x1125xf32, #tpu.memory_space<hbm>> -> memref<1125xf32, #tpu.memory_space<hbm>>
    tpu.wait_dma2 semaphore(%arg10 : memref<!tpu.dma_semaphore, #tpu.memory_space<semaphore_mem>>) src(%dma_wait3A_365 : memref<1125xf32, #tpu.memory_space<hbm>>) dst(%dma_wait3A_362 : memref<1125xf32, #tpu.memory_space<vmem>>)
    %dma_wait3A_366 = arith.constant 11 : i32
    %dma_wait3A_367 = arith.constant 11 : i32
    %dma_wait3A_368 = arith.constant 0 : i32
    %dma_wait3A_369 = tpu.memref_slice %arg8[%dma_wait3A_367, %dma_wait3A_368] : memref<12x1125xf32, #tpu.memory_space<vmem>> -> memref<1x1125xf32, #tpu.memory_space<vmem>>
    %dma_wait3A_370 = tpu.memref_squeeze %dma_wait3A_369 : memref<1x1125xf32, #tpu.memory_space<vmem>> -> memref<1125xf32, #tpu.memory_space<vmem>>
    %dma_wait3A_371 = arith.constant 0 : i32
    %dma_wait3A_372 = tpu.memref_slice %arg2[%dma_wait3A_366, %select_n3A, %add3A_45, %dma_wait3A_371] : memref<12x4x1125x1125xf32, #tpu.memory_space<hbm>> -> memref<1x1x1x1125xf32, #tpu.memory_space<hbm>>
    %dma_wait3A_373 = tpu.memref_squeeze %dma_wait3A_372 : memref<1x1x1x1125xf32, #tpu.memory_space<hbm>> -> memref<1125xf32, #tpu.memory_space<hbm>>
    %dma_wait3A_374 = arith.constant 0 : i32
    %dma_wait3A_375 = tpu.memref_slice %arg8[%dma_wait3A_367, %dma_wait3A_374] : memref<12x1125xf32, #tpu.memory_space<vmem>> -> memref<1x1125xf32, #tpu.memory_space<vmem>>
    %dma_wait3A_376 = tpu.memref_squeeze %dma_wait3A_375 : memref<1x1125xf32, #tpu.memory_space<vmem>> -> memref<1125xf32, #tpu.memory_space<vmem>>
    %dma_wait3A_377 = arith.constant 0 : i32
    %dma_wait3A_378 = tpu.memref_slice %arg2[%dma_wait3A_366, %select_n3A, %add3A_45, %dma_wait3A_377] : memref<12x4x1125x1125xf32, #tpu.memory_space<hbm>> -> memref<1x1x1x1125xf32, #tpu.memory_space<hbm>>
    %dma_wait3A_379 = tpu.memref_squeeze %dma_wait3A_378 : memref<1x1x1x1125xf32, #tpu.memory_space<hbm>> -> memref<1125xf32, #tpu.memory_space<hbm>>
    tpu.wait_dma2 semaphore(%arg10 : memref<!tpu.dma_semaphore, #tpu.memory_space<semaphore_mem>>) src(%dma_wait3A_379 : memref<1125xf32, #tpu.memory_space<hbm>>) dst(%dma_wait3A_376 : memref<1125xf32, #tpu.memory_space<vmem>>)
    %scan3A = arith.constant 0 : i32
    %scan3A_380 = arith.constant 0.0833333358 : f32
    %scan3A_381 = arith.constant 0 : i32
    %scan3A_382 = arith.constant 64 : i32
    %scan3A_383 = arith.addi %scan3A_381, %scan3A_382 : i32
    %scan3A_384 = arith.constant 1 : i32
    scf.for %scan3A_386 = %scan3A_381 to %scan3A_383 step %scan3A_384  : i32 {
      %mul3A_387 = arith.constant 16 : i32
      %mul3A_388 = arith.muli %scan3A_386, %mul3A_387 : i32
      %add3A_389 = arith.constant 1 : i32
      %add3A_390 = arith.addi %add3A_389, %mul3A_388 : i32
      %add3A_391 = vector.broadcast %add3A_390 : i32 to vector<16xi32>
      %add3A_392 = arith.addi %iota3A, %add3A_391 : vector<16xi32>
      %broadcast_in_dim3A_393 = arith.constant 0.000000e+00 : f32
      %broadcast_in_dim3A_394 = vector.broadcast %broadcast_in_dim3A_393 : f32 to vector<16xf32>
      %broadcast_in_dim3A_395 = arith.constant 0 : i32
      %broadcast_in_dim3A_396 = vector.broadcast %broadcast_in_dim3A_395 : i32 to vector<16xi32>
      %gather3A = tpu.vector_load_idx %arg8[%broadcast_in_dim3A_396, %add3A_392] : memref<12x1125xf32, #tpu.memory_space<vmem>>[vector<16xi32>, vector<16xi32>], vector<16xf32>,
      %get3A_397 = arith.constant 0 : i32
      %get3A_398 = arith.index_cast %get3A_397 : i32 to index
      %get3A_399 = arith.constant 0 : index
      %get3A_400 = tpu.vector_load %arg7[%get3A_398, %get3A_399] {strides = array<i32>} : memref<12x16xf32, #tpu.memory_space<vmem>>, vector<16xf32>,
      %ge3A = arith.cmpf oge, %gather3A, %get3A_400 : vector<16xf32>
      %jit3A_401 = arith.constant 0.000000e+00 : f32
      %broadcast_in_dim3A_402 = vector.broadcast %jit3A_401 : f32 to vector<16xf32>
      %select_n3A_403 = arith.select %ge3A, %gather3A, %broadcast_in_dim3A_402 : vector<16xi1>, vector<16xf32>
      %add3A_404 = arith.addf %broadcast_in_dim3A_394, %select_n3A_403 : vector<16xf32>
      %broadcast_in_dim3A_405 = arith.constant 1 : i32
      %broadcast_in_dim3A_406 = vector.broadcast %broadcast_in_dim3A_405 : i32 to vector<16xi32>
      %gather3A_407 = tpu.vector_load_idx %arg8[%broadcast_in_dim3A_406, %add3A_392] : memref<12x1125xf32, #tpu.memory_space<vmem>>[vector<16xi32>, vector<16xi32>], vector<16xf32>,
      %get3A_408 = arith.constant 1 : i32
      %get3A_409 = arith.index_cast %get3A_408 : i32 to index
      %get3A_410 = arith.constant 0 : index
      %get3A_411 = tpu.vector_load %arg7[%get3A_409, %get3A_410] {strides = array<i32>} : memref<12x16xf32, #tpu.memory_space<vmem>>, vector<16xf32>,
      %ge3A_412 = arith.cmpf oge, %gather3A_407, %get3A_411 : vector<16xf32>
      %jit3A_413 = arith.constant 0.000000e+00 : f32
      %broadcast_in_dim3A_414 = vector.broadcast %jit3A_413 : f32 to vector<16xf32>
      %select_n3A_415 = arith.select %ge3A_412, %gather3A_407, %broadcast_in_dim3A_414 : vector<16xi1>, vector<16xf32>
      %add3A_416 = arith.addf %add3A_404, %select_n3A_415 : vector<16xf32>
      %broadcast_in_dim3A_417 = arith.constant 2 : i32
      %broadcast_in_dim3A_418 = vector.broadcast %broadcast_in_dim3A_417 : i32 to vector<16xi32>
      %gather3A_419 = tpu.vector_load_idx %arg8[%broadcast_in_dim3A_418, %add3A_392] : memref<12x1125xf32, #tpu.memory_space<vmem>>[vector<16xi32>, vector<16xi32>], vector<16xf32>,
      %get3A_420 = arith.constant 2 : i32
      %get3A_421 = arith.index_cast %get3A_420 : i32 to index
      %get3A_422 = arith.constant 0 : index
      %get3A_423 = tpu.vector_load %arg7[%get3A_421, %get3A_422] {strides = array<i32>} : memref<12x16xf32, #tpu.memory_space<vmem>>, vector<16xf32>,
      %ge3A_424 = arith.cmpf oge, %gather3A_419, %get3A_423 : vector<16xf32>
      %jit3A_425 = arith.constant 0.000000e+00 : f32
      %broadcast_in_dim3A_426 = vector.broadcast %jit3A_425 : f32 to vector<16xf32>
      %select_n3A_427 = arith.select %ge3A_424, %gather3A_419, %broadcast_in_dim3A_426 : vector<16xi1>, vector<16xf32>
      %add3A_428 = arith.addf %add3A_416, %select_n3A_427 : vector<16xf32>
      %broadcast_in_dim3A_429 = arith.constant 3 : i32
      %broadcast_in_dim3A_430 = vector.broadcast %broadcast_in_dim3A_429 : i32 to vector<16xi32>
      %gather3A_431 = tpu.vector_load_idx %arg8[%broadcast_in_dim3A_430, %add3A_392] : memref<12x1125xf32, #tpu.memory_space<vmem>>[vector<16xi32>, vector<16xi32>], vector<16xf32>,
      %get3A_432 = arith.constant 3 : i32
      %get3A_433 = arith.index_cast %get3A_432 : i32 to index
      %get3A_434 = arith.constant 0 : index
      %get3A_435 = tpu.vector_load %arg7[%get3A_433, %get3A_434] {strides = array<i32>} : memref<12x16xf32, #tpu.memory_space<vmem>>, vector<16xf32>,
      %ge3A_436 = arith.cmpf oge, %gather3A_431, %get3A_435 : vector<16xf32>
      %jit3A_437 = arith.constant 0.000000e+00 : f32
      %broadcast_in_dim3A_438 = vector.broadcast %jit3A_437 : f32 to vector<16xf32>
      %select_n3A_439 = arith.select %ge3A_436, %gather3A_431, %broadcast_in_dim3A_438 : vector<16xi1>, vector<16xf32>
      %add3A_440 = arith.addf %add3A_428, %select_n3A_439 : vector<16xf32>
      %broadcast_in_dim3A_441 = arith.constant 4 : i32
      %broadcast_in_dim3A_442 = vector.broadcast %broadcast_in_dim3A_441 : i32 to vector<16xi32>
      %gather3A_443 = tpu.vector_load_idx %arg8[%broadcast_in_dim3A_442, %add3A_392] : memref<12x1125xf32, #tpu.memory_space<vmem>>[vector<16xi32>, vector<16xi32>], vector<16xf32>,
      %get3A_444 = arith.constant 4 : i32
      %get3A_445 = arith.index_cast %get3A_444 : i32 to index
      %get3A_446 = arith.constant 0 : index
      %get3A_447 = tpu.vector_load %arg7[%get3A_445, %get3A_446] {strides = array<i32>} : memref<12x16xf32, #tpu.memory_space<vmem>>, vector<16xf32>,
      %ge3A_448 = arith.cmpf oge, %gather3A_443, %get3A_447 : vector<16xf32>
      %jit3A_449 = arith.constant 0.000000e+00 : f32
      %broadcast_in_dim3A_450 = vector.broadcast %jit3A_449 : f32 to vector<16xf32>
      %select_n3A_451 = arith.select %ge3A_448, %gather3A_443, %broadcast_in_dim3A_450 : vector<16xi1>, vector<16xf32>
      %add3A_452 = arith.addf %add3A_440, %select_n3A_451 : vector<16xf32>
      %broadcast_in_dim3A_453 = arith.constant 5 : i32
      %broadcast_in_dim3A_454 = vector.broadcast %broadcast_in_dim3A_453 : i32 to vector<16xi32>
      %gather3A_455 = tpu.vector_load_idx %arg8[%broadcast_in_dim3A_454, %add3A_392] : memref<12x1125xf32, #tpu.memory_space<vmem>>[vector<16xi32>, vector<16xi32>], vector<16xf32>,
      %get3A_456 = arith.constant 5 : i32
      %get3A_457 = arith.index_cast %get3A_456 : i32 to index
      %get3A_458 = arith.constant 0 : index
      %get3A_459 = tpu.vector_load %arg7[%get3A_457, %get3A_458] {strides = array<i32>} : memref<12x16xf32, #tpu.memory_space<vmem>>, vector<16xf32>,
      %ge3A_460 = arith.cmpf oge, %gather3A_455, %get3A_459 : vector<16xf32>
      %jit3A_461 = arith.constant 0.000000e+00 : f32
      %broadcast_in_dim3A_462 = vector.broadcast %jit3A_461 : f32 to vector<16xf32>
      %select_n3A_463 = arith.select %ge3A_460, %gather3A_455, %broadcast_in_dim3A_462 : vector<16xi1>, vector<16xf32>
      %add3A_464 = arith.addf %add3A_452, %select_n3A_463 : vector<16xf32>
      %broadcast_in_dim3A_465 = arith.constant 6 : i32
      %broadcast_in_dim3A_466 = vector.broadcast %broadcast_in_dim3A_465 : i32 to vector<16xi32>
      %gather3A_467 = tpu.vector_load_idx %arg8[%broadcast_in_dim3A_466, %add3A_392] : memref<12x1125xf32, #tpu.memory_space<vmem>>[vector<16xi32>, vector<16xi32>], vector<16xf32>,
      %get3A_468 = arith.constant 6 : i32
      %get3A_469 = arith.index_cast %get3A_468 : i32 to index
      %get3A_470 = arith.constant 0 : index
      %get3A_471 = tpu.vector_load %arg7[%get3A_469, %get3A_470] {strides = array<i32>} : memref<12x16xf32, #tpu.memory_space<vmem>>, vector<16xf32>,
      %ge3A_472 = arith.cmpf oge, %gather3A_467, %get3A_471 : vector<16xf32>
      %jit3A_473 = arith.constant 0.000000e+00 : f32
      %broadcast_in_dim3A_474 = vector.broadcast %jit3A_473 : f32 to vector<16xf32>
      %select_n3A_475 = arith.select %ge3A_472, %gather3A_467, %broadcast_in_dim3A_474 : vector<16xi1>, vector<16xf32>
      %add3A_476 = arith.addf %add3A_464, %select_n3A_475 : vector<16xf32>
      %broadcast_in_dim3A_477 = arith.constant 7 : i32
      %broadcast_in_dim3A_478 = vector.broadcast %broadcast_in_dim3A_477 : i32 to vector<16xi32>
      %gather3A_479 = tpu.vector_load_idx %arg8[%broadcast_in_dim3A_478, %add3A_392] : memref<12x1125xf32, #tpu.memory_space<vmem>>[vector<16xi32>, vector<16xi32>], vector<16xf32>,
      %get3A_480 = arith.constant 7 : i32
      %get3A_481 = arith.index_cast %get3A_480 : i32 to index
      %get3A_482 = arith.constant 0 : index
      %get3A_483 = tpu.vector_load %arg7[%get3A_481, %get3A_482] {strides = array<i32>} : memref<12x16xf32, #tpu.memory_space<vmem>>, vector<16xf32>,
      %ge3A_484 = arith.cmpf oge, %gather3A_479, %get3A_483 : vector<16xf32>
      %jit3A_485 = arith.constant 0.000000e+00 : f32
      %broadcast_in_dim3A_486 = vector.broadcast %jit3A_485 : f32 to vector<16xf32>
      %select_n3A_487 = arith.select %ge3A_484, %gather3A_479, %broadcast_in_dim3A_486 : vector<16xi1>, vector<16xf32>
      %add3A_488 = arith.addf %add3A_476, %select_n3A_487 : vector<16xf32>
      %broadcast_in_dim3A_489 = arith.constant 8 : i32
      %broadcast_in_dim3A_490 = vector.broadcast %broadcast_in_dim3A_489 : i32 to vector<16xi32>
      %gather3A_491 = tpu.vector_load_idx %arg8[%broadcast_in_dim3A_490, %add3A_392] : memref<12x1125xf32, #tpu.memory_space<vmem>>[vector<16xi32>, vector<16xi32>], vector<16xf32>,
      %get3A_492 = arith.constant 8 : i32
      %get3A_493 = arith.index_cast %get3A_492 : i32 to index
      %get3A_494 = arith.constant 0 : index
      %get3A_495 = tpu.vector_load %arg7[%get3A_493, %get3A_494] {strides = array<i32>} : memref<12x16xf32, #tpu.memory_space<vmem>>, vector<16xf32>,
      %ge3A_496 = arith.cmpf oge, %gather3A_491, %get3A_495 : vector<16xf32>
      %jit3A_497 = arith.constant 0.000000e+00 : f32
      %broadcast_in_dim3A_498 = vector.broadcast %jit3A_497 : f32 to vector<16xf32>
      %select_n3A_499 = arith.select %ge3A_496, %gather3A_491, %broadcast_in_dim3A_498 : vector<16xi1>, vector<16xf32>
      %add3A_500 = arith.addf %add3A_488, %select_n3A_499 : vector<16xf32>
      %broadcast_in_dim3A_501 = arith.constant 9 : i32
      %broadcast_in_dim3A_502 = vector.broadcast %broadcast_in_dim3A_501 : i32 to vector<16xi32>
      %gather3A_503 = tpu.vector_load_idx %arg8[%broadcast_in_dim3A_502, %add3A_392] : memref<12x1125xf32, #tpu.memory_space<vmem>>[vector<16xi32>, vector<16xi32>], vector<16xf32>,
      %get3A_504 = arith.constant 9 : i32
      %get3A_505 = arith.index_cast %get3A_504 : i32 to index
      %get3A_506 = arith.constant 0 : index
      %get3A_507 = tpu.vector_load %arg7[%get3A_505, %get3A_506] {strides = array<i32>} : memref<12x16xf32, #tpu.memory_space<vmem>>, vector<16xf32>,
      %ge3A_508 = arith.cmpf oge, %gather3A_503, %get3A_507 : vector<16xf32>
      %jit3A_509 = arith.constant 0.000000e+00 : f32
      %broadcast_in_dim3A_510 = vector.broadcast %jit3A_509 : f32 to vector<16xf32>
      %select_n3A_511 = arith.select %ge3A_508, %gather3A_503, %broadcast_in_dim3A_510 : vector<16xi1>, vector<16xf32>
      %add3A_512 = arith.addf %add3A_500, %select_n3A_511 : vector<16xf32>
      %broadcast_in_dim3A_513 = arith.constant 10 : i32
      %broadcast_in_dim3A_514 = vector.broadcast %broadcast_in_dim3A_513 : i32 to vector<16xi32>
      %gather3A_515 = tpu.vector_load_idx %arg8[%broadcast_in_dim3A_514, %add3A_392] : memref<12x1125xf32, #tpu.memory_space<vmem>>[vector<16xi32>, vector<16xi32>], vector<16xf32>,
      %get3A_516 = arith.constant 10 : i32
      %get3A_517 = arith.index_cast %get3A_516 : i32 to index
      %get3A_518 = arith.constant 0 : index
      %get3A_519 = tpu.vector_load %arg7[%get3A_517, %get3A_518] {strides = array<i32>} : memref<12x16xf32, #tpu.memory_space<vmem>>, vector<16xf32>,
      %ge3A_520 = arith.cmpf oge, %gather3A_515, %get3A_519 : vector<16xf32>
      %jit3A_521 = arith.constant 0.000000e+00 : f32
      %broadcast_in_dim3A_522 = vector.broadcast %jit3A_521 : f32 to vector<16xf32>
      %select_n3A_523 = arith.select %ge3A_520, %gather3A_515, %broadcast_in_dim3A_522 : vector<16xi1>, vector<16xf32>
      %add3A_524 = arith.addf %add3A_512, %select_n3A_523 : vector<16xf32>
      %broadcast_in_dim3A_525 = arith.constant 11 : i32
      %broadcast_in_dim3A_526 = vector.broadcast %broadcast_in_dim3A_525 : i32 to vector<16xi32>
      %gather3A_527 = tpu.vector_load_idx %arg8[%broadcast_in_dim3A_526, %add3A_392] : memref<12x1125xf32, #tpu.memory_space<vmem>>[vector<16xi32>, vector<16xi32>], vector<16xf32>,
      %get3A_528 = arith.constant 11 : i32
      %get3A_529 = arith.index_cast %get3A_528 : i32 to index
      %get3A_530 = arith.constant 0 : index
      %get3A_531 = tpu.vector_load %arg7[%get3A_529, %get3A_530] {strides = array<i32>} : memref<12x16xf32, #tpu.memory_space<vmem>>, vector<16xf32>,
      %ge3A_532 = arith.cmpf oge, %gather3A_527, %get3A_531 : vector<16xf32>
      %jit3A_533 = arith.constant 0.000000e+00 : f32
      %broadcast_in_dim3A_534 = vector.broadcast %jit3A_533 : f32 to vector<16xf32>
      %select_n3A_535 = arith.select %ge3A_532, %gather3A_527, %broadcast_in_dim3A_534 : vector<16xi1>, vector<16xf32>
      %add3A_536 = arith.addf %add3A_524, %select_n3A_535 : vector<16xf32>
      %mul3A_537 = vector.broadcast %scan3A_380 : f32 to vector<16xf32>
      %mul3A_538 = arith.mulf %add3A_536, %mul3A_537 : vector<16xf32>
      %mul3A_539 = arith.constant 16 : i32
      %mul3A_540 = arith.muli %scan3A_386, %mul3A_539 : i32
      %swap3A = arith.index_cast %mul3A_540 : i32 to index
      %swap3A_541 = tpu.vector_load %arg9[%swap3A] {strides = array<i32>} : memref<1024xf32, #tpu.memory_space<vmem>>, vector<16xf32>,
      tpu.vector_store %arg9[%swap3A], %mul3A_538 {strides = array<i32>} : memref<1024xf32, #tpu.memory_space<vmem>>, vector<16xf32>,
    }
    %scan3A_385 = arith.constant 64 : i32
    "tpu.region"() ({
      %run_scoped3A = tpu.sem_alloc : memref<!tpu.dma_semaphore, #tpu.memory_space<semaphore_mem>>
      %dma_start3A_386 = arith.constant 0 : i32
      %dma_start3A_387 = tpu.memref_slice %arg5[%add3A, %dma_start3A_386] : memref<32x1024xf32, #tpu.memory_space<hbm>> -> memref<1x1024xf32, #tpu.memory_space<hbm>>
      %dma_start3A_388 = tpu.memref_squeeze %dma_start3A_387 : memref<1x1024xf32, #tpu.memory_space<hbm>> -> memref<1024xf32, #tpu.memory_space<hbm>>
      %dma_start3A_389 = arith.constant 0 : i32
      %dma_start3A_390 = tpu.memref_slice %arg5[%add3A, %dma_start3A_389] : memref<32x1024xf32, #tpu.memory_space<hbm>> -> memref<1x1024xf32, #tpu.memory_space<hbm>>
      %dma_start3A_391 = tpu.memref_squeeze %dma_start3A_390 : memref<1x1024xf32, #tpu.memory_space<hbm>> -> memref<1024xf32, #tpu.memory_space<hbm>>
      tpu.enqueue_dma source(%arg9 : memref<1024xf32, #tpu.memory_space<vmem>>) target(%dma_start3A_391 : memref<1024xf32, #tpu.memory_space<hbm>>) target_semaphore(%run_scoped3A : memref<!tpu.dma_semaphore, #tpu.memory_space<semaphore_mem>>)
      %dma_wait3A_392 = arith.constant 0 : i32
      %dma_wait3A_393 = tpu.memref_slice %arg5[%add3A, %dma_wait3A_392] : memref<32x1024xf32, #tpu.memory_space<hbm>> -> memref<1x1024xf32, #tpu.memory_space<hbm>>
      %dma_wait3A_394 = tpu.memref_squeeze %dma_wait3A_393 : memref<1x1024xf32, #tpu.memory_space<hbm>> -> memref<1024xf32, #tpu.memory_space<hbm>>
      %dma_wait3A_395 = arith.constant 0 : i32
      %dma_wait3A_396 = tpu.memref_slice %arg5[%add3A, %dma_wait3A_395] : memref<32x1024xf32, #tpu.memory_space<hbm>> -> memref<1x1024xf32, #tpu.memory_space<hbm>>
      %dma_wait3A_397 = tpu.memref_squeeze %dma_wait3A_396 : memref<1x1024xf32, #tpu.memory_space<hbm>> -> memref<1024xf32, #tpu.memory_space<hbm>>
      tpu.wait_dma2 semaphore(%run_scoped3A : memref<!tpu.dma_semaphore, #tpu.memory_space<semaphore_mem>>) src(%arg9 : memref<1024xf32, #tpu.memory_space<vmem>>) dst(%dma_wait3A_397 : memref<1024xf32, #tpu.memory_space<hbm>>)
      tpu.yield
    }) : () -> ()
    return
  }
}

module attributes {stable_mosaic.version = 14 : i64} {
  func.func @_threshold_body(%arg0: i32, %arg1: memref<1x1125x1125xf32, #tpu.memory_space<vmem>>, %arg2: memref<1x1x16xf32, #tpu.memory_space<vmem>>, %arg3: memref<1152x1125xbf16, #tpu.memory_space<vmem>>) attributes {dimension_semantics = [#tpu.dimension_semantics<arbitrary>], iteration_bounds = array<i64: 48>, scalar_prefetch = 0 : i64, scratch_operands = 1 : i64, tpu.core_type = #tpu.core_type<tc>, window_params = [{transform_indices = @transform_0, window_bounds = array<i64: 1, 1125, 1125>}, {transform_indices = @transform_1, window_bounds = array<i64: 1, 1, 16>}]} {
    %get3A = arith.constant 0 : index
    %get3A_0 = arith.constant 0 : index
    %get3A_1 = arith.constant 0 : index
    %get3A_2 = vector.load %arg1[%get3A, %get3A_0, %get3A_1] : memref<1x1125x1125xf32, #tpu.memory_space<vmem>>, vector<1x1x1xf32>
    %get3A_3 = vector.extract %get3A_2[0, 0, 0] : f32 from vector<1x1x1xf32>
    %broadcast_in_dim3A = vector.broadcast %get3A_3 : f32 to vector<1x1x16xf32>
    %swap3A = arith.constant 0 : index
    %swap3A_4 = arith.constant 0 : index
    %swap3A_5 = arith.constant 0 : index
    %swap3A_6 = vector.load %arg2[%swap3A, %swap3A_4, %swap3A_5] : memref<1x1x16xf32, #tpu.memory_space<vmem>>, vector<1x1x16xf32>
    tpu.vector_store %arg2[%swap3A, %swap3A_4, %swap3A_5], %broadcast_in_dim3A {strides = array<i32>} : memref<1x1x16xf32, #tpu.memory_space<vmem>>, vector<1x1x16xf32>,
    return
  }
  func.func @transform_0(%arg0: i32) -> (i32, i32, i32) {
    %c0_i32 = arith.constant 0 : i32
    %c0_i32_0 = arith.constant 0 : i32
    %c0_i32_1 = arith.constant 0 : i32
    return %arg0, %c0_i32, %c0_i32_0 : i32, i32, i32
  }
  func.func @transform_1(%arg0: i32) -> (i32, i32, i32) {
    %c0_i32 = arith.constant 0 : i32
    %c0_i32_0 = arith.constant 0 : i32
    %c0_i32_1 = arith.constant 0 : i32
    return %arg0, %c0_i32, %c0_i32_0 : i32, i32, i32
  }
}

</mosaic_0001>

<sc_bundles>
// kernel: kernel.4.cloned.1.call-start
scs
__scs_entry_jumppad:
0x0: {  	(pc) =	sbr.rel $0x88, $3  }
0x1: {  	(tag) =	ssettag $0x0;
	lr =	simm.s32 $0x1  }
0x2: {  	[smem:$0x3F9F] =	sst lr;
	_ =	strace $0xD0000000  }
0x3: {  	_ = 	snop  }
0x4: {  	_ = 	snop  }
0x5: {  	_ = 	snop  }
0x6: {  	_ = 	snop  }
0x7: {  	_ = 	snop  }
__scs_overlays_trampoline_lowered:
0x8: {  	[smem:$0x3FAE] =	sst s0  }
0x9: {  	[smem:$0x3FAF] =	sst s1  }
0xa: {  	[smem:$0x3FB0] =	sst s2  }
0xb: {  	[smem:$0x3FB1] =	sst s3  }
0xc: {  	[smem:$0x3FB2] =	sst s4  }
0xd: {  	[smem:$0x3FB3] =	sst s5  }
0xe: {  	[smem:$0x3FB4] =	sst s6  }
0xf: {  	[smem:$0x3FB5] =	sst s7  }
0x10: {  	[smem:$0x3FB6] =	sst s8  }
0x11: {  	[smem:$0x3FB7] =	sst s9;
	s0 =	simm.s32 @!p0 $0x0  }
0x12: {  	s1 =	sld [smem:$0x3F9D];
	s0 =	simm.s32 @p0 $0x1  }
0x13: {  	[smem:$0x3FB8] =	sst s0;
	s0 =	simm.s32 @!p1 $0x0  }
0x14: {  	s2 =	sld [smem:$0x3F9C];
	s0 =	simm.s32 @p1 $0x1  }
0x15: {  	[smem:$0x3FB9] =	sst s0;
	s0 =	simm.s32 @!p2 $0x0  }
0x16: {  	s3 =	sld [smem:$0x3FDB];
	s0 =	simm.s32 @p2 $0x1  }
0x17: {  	s4 =	simm.s32 $0x1BF5;
	[smem:$0x3FBB] =	sst s0  }
0x18: {  	s0 =	sld [smem:$0x3F9E];
	_ =	swait.ge [sflag:s4], $0x0  }
0x19: {  	s7 =	sld [smem:$0x3F9F]  }
0x1a: {  	s8 =	sadd.s32 $0xFFFFE003, lr  }
0x1b: {  	s9 =	sadd.s32 $0xFFFFFEF7, lr;
	s5 =	simm.s32 $0xFFFFFFFF;
	p2 =	slt.u32 s8, $0xFFFFF086  }
0x1c: {  	p1 =	slt.u32 s9, $0xF7A;
	s5 =	simm.s32 @!p2 $0x0  }
0x1d: {  	s5 =	simm.s32 @p1 $0x1;
	p0 =	seq.s32 s7, s2  }
0x1e: {  	s7 =	smul.u32 @!p0 $0xF7A, s2;
	p2 =	seq.s32 @!p0 s5, $0x0  }
0x1f: {  	s9 =	smul.u32 $0xF7A, s1;
	s8 =	simm.s32 @!p0 $0x1BF5;
	p2 =	por !p2, p0  }
0x20: {  	[sflag:s8] =	ssyncset.s32 @!p0 $0xFFFFF086;
	s6 =	sadd.s32 @!p0 s3, s7;
	s7 =	simm.s32 @!p0 $0x108  }
0x21: {  	s3 =	sadd.s32 s3, s9;
	s6 =	sadd.s32 @!p0 $0x88, s6;
	s7 =	simm.s32 @p2 $0x1082  }
0x22: {  	[simem:s7], [sflag:s8] =	dma.local @!p0 [hbm:s6], $0xF7A  }
0x23: {  	s9 =	sor.u32 $0xD0000000, s2;
	s6 =	simm.s32 $0x108;
	_ =	swait.ge @!p0 [sflag:s8], $0x0  }
0x24: {  	s3 =	sadd.s32 $0x88, s3;
	s6 =	simm.s32 @!p1 $0x1082;
	[sflag:s4] =	ssyncset.s32 $0xFFFFF086  }
0x25: {  	[simem:s6], [sflag:s4] =	dma.local [hbm:s3], $0xF7A  }
0x26: {  	[smem:$0x3F9F] =	sst s1;
	(tag) =	ssettag s2;
	_ =	strace s9  }
0x27: {  	s1 =	sld [smem:$0x3FAF]  }
0x28: {  	s2 =	sld [smem:$0x3FB0]  }
0x29: {  	s4 =	sld [smem:$0x3FB2]  }
0x2a: {  	p0 =	seq.s32 s5, $0x0;
	s5 =	sld [smem:$0x3FB3]  }
0x2b: {  	s6 =	sld [smem:$0x3FB4]  }
0x2c: {  	s7 =	sld [smem:$0x3FB5]  }
0x2d: {  	s3 =	simm.s32 $0x108;
	s8 =	sld [smem:$0x3FB6]  }
0x2e: {  	s3 =	simm.s32 @!p0 $0x1082;
	s9 =	sld [smem:$0x3FB7]  }
0x2f: {  	lr =	sadd.s32 s0, s3;
	s0 =	sld [smem:$0x3FAE]  }
0x30: {  	s3 =	sld [smem:$0x3FB1]  }
0x31: {  	[smem:$0x3FBA] =	sst s10  }
0x32: {  	s10 =	sld [smem:$0x3FB8];
	_ =	sdelay $0x3  }
0x33: {  	p0 =	seq.s32 s10, $0x1;
	s10 =	sld [smem:$0x3FBA];
	_ =	sdelay $0x3  }
0x34: {  	[smem:$0x3FBA] =	sst s10  }
0x35: {  	s10 =	sld [smem:$0x3FB9];
	_ =	sdelay $0x3  }
0x36: {  	p1 =	seq.s32 s10, $0x1;
	s10 =	sld [smem:$0x3FBA];
	_ =	sdelay $0x3  }
0x37: {  	[smem:$0x3FBA] =	sst s10  }
0x38: {  	s10 =	sld [smem:$0x3FBB]  }
0x39: {  	_ = 	snop;
	(pc) =	sbr.ind lr, $3  }
0x3a: {  	_ = 	snop  }
0x3b: {  	_ = 	snop  }
0x3c: {  	p2 =	seq.s32 s10, $0x1;
	s10 =	sld [smem:$0x3FBA]  }
0x3d: {  	_ =	shalt  }
0x3e: {  	_ =	shalt  }
0x3f: {  	_ =	shalt  }
0x40: {  	_ =	shalt  }
0x41: {  	_ =	shalt  }
0x42: {  	_ =	shalt  }
0x43: {  	_ =	shalt  }
0x44: {  	_ =	shalt  }
0x45: {  	_ =	shalt  }
0x46: {  	_ =	shalt  }
0x47: {  	_ =	shalt  }
0x48: {  	_ =	shalt  }
0x49: {  	_ =	shalt  }
0x4a: {  	_ =	shalt  }
0x4b: {  	_ =	shalt  }
0x4c: {  	_ =	shalt  }
0x4d: {  	_ =	shalt  }
0x4e: {  	_ =	shalt  }
0x4f: {  	_ =	shalt  }
0x50: {  	_ =	shalt  }
0x51: {  	_ =	shalt  }
0x52: {  	_ =	shalt  }
0x53: {  	_ =	shalt  }
0x54: {  	_ =	shalt  }
0x55: {  	_ =	shalt  }
0x56: {  	_ =	shalt  }
0x57: {  	_ =	shalt  }
0x58: {  	_ =	shalt  }
0x59: {  	_ =	shalt  }
0x5a: {  	_ =	shalt  }
0x5b: {  	_ =	shalt  }
0x5c: {  	_ =	shalt  }
0x5d: {  	_ =	shalt  }
0x5e: {  	_ =	shalt  }
0x5f: {  	_ =	shalt  }
0x60: {  	_ =	shalt  }
0x61: {  	_ =	shalt  }
0x62: {  	_ =	shalt  }
0x63: {  	_ =	shalt  }
0x64: {  	_ =	shalt  }
0x65: {  	_ =	shalt  }
0x66: {  	_ =	shalt  }
0x67: {  	_ =	shalt  }
0x68: {  	_ =	shalt  }
0x69: {  	_ =	shalt  }
0x6a: {  	_ =	shalt  }
0x6b: {  	_ =	shalt  }
0x6c: {  	_ =	shalt  }
0x6d: {  	_ =	shalt  }
0x6e: {  	_ =	shalt  }
0x6f: {  	_ =	shalt  }
0x70: {  	_ =	shalt  }
0x71: {  	_ =	shalt  }
0x72: {  	_ =	shalt  }
0x73: {  	_ =	shalt  }
0x74: {  	_ =	shalt  }
0x75: {  	_ =	shalt  }
0x76: {  	_ =	shalt  }
0x77: {  	_ =	shalt  }
0x78: {  	_ =	shalt  }
0x79: {  	_ =	shalt  }
0x7a: {  	_ =	shalt  }
0x7b: {  	_ =	shalt  }
0x7c: {  	_ =	shalt  }
0x7d: {  	_ =	shalt  }
0x7e: {  	_ =	shalt  }
0x7f: {  	_ =	shalt  }
0x80: {  	_ =	shalt  }
0x81: {  	_ =	shalt  }
0x82: {  	_ =	shalt  }
0x83: {  	_ =	shalt  }
0x84: {  	_ =	shalt  }
0x85: {  	_ =	shalt  }
0x86: {  	_ =	shalt  }
0x87: {  	_ =	shalt  }
.Lfunc_end0:
.L_simem_size_0:
called_computation_lowered:
.L_overlay_start_0:
0x88: {  	s2 =	sld [smem:$0x3FD9]  }
0x89: {  	s3 =	sld [smem:$0x3FFE];
	_ =	sdelay $0x1  }
0x8a: {  	s1 =	srdreg.scid  }
0x8b: {  	s0 =	sand.u32 $0x1, s1  }
0x8c: {  	s17 =	sshll.u32 s0, $0xA;
	s2 =	sadd.s32 s3, s2  }
0x8d: {  	s2 =	sadd.s32 s2, s17  }
0x8e: {  	[smem:$0x3FC6] =	sst s2  }
0x8f: {  	_ = 	snop  }
0x90: {  	s2 =	sld [smem:$0x3FD0];
	(tm) =	ssettm $0x1  }
0x91: {  	s18 =	sld [smem:$0x3FFB];
	_ =	sdelay $0x3  }
0x92: {  	_ =	strace s18  }
0x93: {  	s3 =	sld [smem:$0x3FFC];
	_ =	sdelay $0x3  }
0x94: {  	_ =	strace s3  }
0x95: {  	s3 =	sld [smem:$0x3FFD];
	_ =	sdelay $0x3  }
0x96: {  	_ =	strace s3  }
0x97: {  	_ =	strace $0x8FFFFFFF  }
0x98: {  	s19 =	sld [smem:$0x3FDB];
	_ =	sdelay $0x1  }
0x99: {  	s4 =	simm.s32 $_scs_section_size  }
0x9a: {  	s5 =	simm.s32 $_size__tile_overlayer_lowered;
	s6 =	simm.s32 $_tile_overlayer_lowered  }
0x9b: {  	s22 =	simm.s32 $0x1BFF;
	s21 =	sshll.u32 s6, $0x1;
	s3 =	sadd.s32 s4, s19  }
0x9c: {  	s7 =	simm.s32 $0x0;
	s20 =	sshll.u32 s5, $0x1;
	s5 =	sadd.s32 s21, s3  }
0x9d: {  	[timem:s7], [sflag:s22] =	dma.local [hbm:s5], s20  }
0x9e: {  	_ =	swait.ge [sflag:s22], s20  }
0x9f: {  	s4 =	ssub.s32 $0x0, s20;
	[sflag:s22] =	ssyncset.done $0x0  }
0xa0: {  	[sflag:s22] =	ssyncadd.s32 s4;
	_ =	sdelay $0x1  }
0xa1: {  	s23 =	simm.s32 $0x1B8B  }
0xa2: {  	_ =	swait.ge [sflag:s23], $0x1  }
0xa3: {  	[sflag:s23] =	ssyncset.done $0x0  }
0xa4: {  	s25 =	simm.s32 $0x1B8E;
	s24 =	sld [smem:$0x3FFE];
	[sflag:s23] =	ssyncadd.s32 $0xFFFFFFFF  }
0xa5: {  	s26 =	simm.s32 $execute0_lowered;
	[smem:$0x3FD2] =	sst s25  }
0xa6: {  	s5 =	sshll.u32 s26, $0x1;
	_ =	strace $0x80000046;
	[dreg:$0x1] =	wrdreg $0xFFFFFFFF  }
0xa7: {  	s28 =	simm.s32 $_size_execute0_lowered;
	s3 =	sadd.s32 s3, s5;
	[dreg:$0x0] =	wrdreg $0x0  }
0xa8: {  	s5 =	sshll.u32 s28, $0x1;
	[dreg:$0x2] =	wrdreg s3  }
0xa9: {  	[dreg:$0x3] =	wrdreg s5  }
0xaa: {  	[dreg:$0x4] =	wrdreg $0xC0  }
0xab: {  	_ =	task [dreg:s7], $0x5FFFF  }
0xac: {  	[dreg:$0x1] =	wrdreg $0xFFFFFFFF  }
0xad: {  	[dreg:$0x0] =	wrdreg $0x60  }
0xae: {  	[dreg:$0x2] =	wrdreg s24  }
0xaf: {  	[dreg:$0x3] =	wrdreg s2  }
0xb0: {  	[dreg:$0x4] =	wrdreg $0x9  }
0xb1: {  	_ =	task.clear_ibuf [dreg:s7], $0x5FFFF;
	_ =	strace $0x90000046  }
0xb2: {  	s29 =	simm.s32 $0x9;
	_ =	strace $0x80000048  }
0xb3: {  	_ =	swait.ge [sflag:s29], $0x1  }
0xb4: {  	[sflag:s29] =	ssyncadd.s32 $0xFFFFFFFF  }
0xb5: {  	_ =	strace $0x90000048  }
0xb6: {  	_ =	sfence  }
0xb7: {  	s30 =	sld [smem:$0x0];
	_ =	sdelay $0x2  }
0xb8: {  	s31 =	sshll.u32 s1, $0xD;
	s1 =	sshrl.u32 s1, $0x2  }
0xb9: {  	s3 =	sand.u32 $0x4000, s31;
	s1 =	sadd.s32 s1, s30  }
0xba: {  	s0 =	sor.u32 s3, s0;
	s1 =	sshll.u32 s1, $0x11  }
0xbb: {  	s0 =	sor.u32 s1, s0  }
0xbc: {  	s0 =	sadd.s32 $0x8F2B, s0  }
0xbd: {  	[sflag:s0] =	ssyncadd.remote.s32 $0x1  }
0xbe: {  	_ =	sfence.sel $0xFFFF  }
0xbf: {  	[dreg:$0x0] =	wrdreg $0xFFFFFFFF;
	(pc) =	sbr.abs _section_cstart, $3  }
0xc0: {  	[dreg:$0x1] =	wrdreg $0xFFFFFFFF  }
0xc1: {  	_ =	task.clear_ibuf [dreg:s7], $0x2FFFF;
	_ =	strace $0x9FFFFFFF  }
0xc2: {  	(tm) =	ssettm $0x7FFFFFFF  }
0xc3: {  	_ =	shalt  }
tec
execute0_lowered:
.L_overlay_start_1:
0x0: {  	(tag) =	ssettag $0x1  }
0x1: {  	s0 =	rddreg [dreg:$0x0]  }
0x2: {  	s1 =	rddreg [dreg:$0x1];
	s2 =	simm.s32 $0x0;
	s20 =	stileid.u32  }
0x3: {  	s5 =	srdreg.scid;
	s21 =	simm.s32 $0x2;
	s22 =	simm.s32 $0x80  }
0x4: {  	s23 =	simm.s32 $0x880;
	s24 =	simm.s32 $0x5080;
	s25 =	simm.s32 $0x0  }
0x5: {  	[smem:$0x7FF] =	sst s2;
	s4 =	sshll.u32 s20, $0x8;
	s3 =	sadd.s32 $0x600, s0  }
0x6: {  	s5 =	sand.u32 $0x1, s5;
	s7 =	sshll.u32 s20, $0x1;
	s8 =	sshrl.u32 s20, $0x2  }
0x7: {  	p0 =	slt.u32 s20, $0x8;
	s20 =	simm.s32 $0x0;
	_ =	strace $0x80000047  }
0x8: {  	s6 =	sand.u32 $0xC00, s4;
	s4 =	sadd.s32 $0x400, s0;
	s26 =	ssub.s32 $0x2, s5  }
0x9: {  	s12 =	sor.u32 s5, s7;
	s29 =	sshll.u32 s8, $0x8;
	s5 =	smul.u32 $0x13D400, s8  }
0xa: {  	s20 =	simm.s32 @!p0 $0x10;
	s16 =	sadd.s32 s6, s0;
	s28 =	sshrl.u32 s26, $0x1  }
0xb: {  	s6 =	sadd.s32 s1, s29;
	s30 =	sand.u32 $0xF, s12;
	s31 =	sshll.u32 s12, $0x4  }
0xc: {  	s0 =	simm.s32 $0x4E00;
	s19 =	ssub.s32 s26, s28;
	s7 =	sadd.s32 $0x4F5000, s5  }
0xd: {  	s8 =	sadd.s32 $0x9EA000, s5;
	s9 =	sadd.s32 $0xEDF000, s5;
	s10 =	sadd.s32 $0x13D4000, s5  }
0xe: {  	s11 =	sadd.s32 $0x18C9000, s5;
	s12 =	sadd.s32 $0x1DBE000, s5;
	s13 =	sadd.s32 $0x22B3000, s5  }
0xf: {  	s1 =	sand.u32 $0x70, s31;
	s14 =	sadd.s32 $0x27A8000, s5;
	s15 =	sadd.s32 $0x2C9D000, s5  }
0x10: {  	v0 =	vlaneseq.u32;
	s17 =	sadd.s32 $0x3687000, s5;
	v1 =	vmov s30;
	s1 =	sadd.s32 s1, s16;
	s16 =	sadd.s32 $0x3192000, s5  }
0x11: {  	s19 =	smax.u32 s19, $0x1;
	vm0 =	veq.s32 v1, v0;
	s18 =	sadd.s32 $0x76FE00, s1;
	s1 =	simm.s32 $0x400  }
.LBB2_1:
0x12: {  	[tilespmem:s2], [sflag:$0x2] =	stream.linear.gather [hbm4b:s4+s2], $0x80, $0x38;
	[tilespmem:$0x5480] =	vst v63  }
0x13: {  	_ =	swait.ge [sflag:s21], $0x80  }
0x14: {  	[sflag:s21] =	ssyncset.done $0x0  }
0x15: {  	[sflag:s21] =	ssyncadd.s32 $0xFFFFFF80  }
0x16: {  	[tilespmem:s22], [sflag:$0x2] =	stream.linear.gather [hbm4b:s6+s2], $0x600, $0x38;
	[tilespmem:$0x5480] =	vst v63  }
0x17: {  	_ =	swait.ge [sflag:s21], $0x600  }
0x18: {  	[sflag:s21] =	ssyncset.done $0x0  }
0x19: {  	[sflag:s21] =	ssyncadd.s32 $0xFFFFFA00  }
0x1a: {  	v1 =	vld [tilespmem:s20+$0x0];
	_ =	sdelay $0x4  }
0x1b: {  	v1 =	vnsel vm0, $0x0, v1  }
0x1c: {  	(xrf0) =	vadd.scan.msk.s32 $0xffff, v1;
	_ =	sdelay $0x5  }
0x1d: {  	v1, _, _ =	vpop (xrf0)  }
0x1e: {  	(v2sf) =	vpush v1, $0xF;
	_ =	sdelay $0xe  }
0x1f: {  	s26 =	spop (v2sf)  }
0x20: {  	s28 =	sadd.s32 $0x401, s26  }
0x21: {  	s26 =	sshrl.u32 s28, $0x3  }
0x22: {  	s26 =	smul.u32 $0x2400, s26  }
0x23: {  	s28 =	sshll.u32 s28, $0x7  }
0x24: {  	s28 =	sand.u32 $0x380, s28;
	s29 =	sadd.s32 s5, s26  }
0x25: {  	s29 =	sor.u32 s28, s29  }
0x26: {  	s29 =	sshrl.u32 s29, $0x3  }
0x27: {  	s29 =	sadd.s32 s3, s29  }
0x28: {  	[tilespmem:s23], [sflag:$0x1] =	stream.linear.gather [hbm4b:s29+s2], $0x80, $0x38;
	[tilespmem:$0x5480] =	vst v63  }
0x29: {  	s31 =	simm.s32 $0xC80;
	s30 =	sadd.s32 $0x80, s29  }
0x2a: {  	[tilespmem:s31], [sflag:$0x1] =	stream.linear.gather [hbm4b:s30+s2], $0x80, $0x38;
	[tilespmem:$0x5480] =	vst v63  }
0x2b: {  	s30 =	sadd.s32 $0x100, s29;
	s31 =	simm.s32 $0x1080  }
0x2c: {  	[tilespmem:s31], [sflag:$0x1] =	stream.linear.gather [hbm4b:s30+s2], $0x80, $0x38;
	[tilespmem:$0x5480] =	vst v63  }
0x2d: {  	s30 =	sadd.s32 $0x180, s29;
	s31 =	simm.s32 $0x1480  }
0x2e: {  	[tilespmem:s31], [sflag:$0x1] =	stream.linear.gather [hbm4b:s30+s2], $0x80, $0x38;
	[tilespmem:$0x5480] =	vst v63  }
0x2f: {  	s30 =	sadd.s32 $0x200, s29;
	s31 =	simm.s32 $0x1880  }
0x30: {  	[tilespmem:s31], [sflag:$0x1] =	stream.linear.gather [hbm4b:s30+s2], $0x80, $0x38;
	[tilespmem:$0x5480] =	vst v63  }
0x31: {  	s30 =	sadd.s32 $0x280, s29;
	s31 =	simm.s32 $0x1C80  }
0x32: {  	[tilespmem:s31], [sflag:$0x1] =	stream.linear.gather [hbm4b:s30+s2], $0x80, $0x38;
	[tilespmem:$0x5480] =	vst v63  }
0x33: {  	s30 =	sadd.s32 $0x300, s29;
	s31 =	simm.s32 $0x2080  }
0x34: {  	[tilespmem:s31], [sflag:$0x1] =	stream.linear.gather [hbm4b:s30+s2], $0x80, $0x38;
	[tilespmem:$0x5480] =	vst v63  }
0x35: {  	s30 =	sadd.s32 $0x380, s29;
	s31 =	simm.s32 $0x2480  }
0x36: {  	[tilespmem:s31], [sflag:$0x1] =	stream.linear.gather [hbm4b:s30+s2], $0x80, $0x38;
	[tilespmem:$0x5480] =	vst v63  }
0x37: {  	s29 =	sadd.s32 $0x400, s29;
	s31 =	simm.s32 $0x2880;
	s30 =	sadd.s32 s7, s26  }
0x38: {  	[tilespmem:s31], [sflag:$0x1] =	stream.linear.gather [hbm4b:s29+s2], $0x80, $0x38;
	[tilespmem:$0x5480] =	vst v63  }
0x39: {  	s29 =	sor.u32 s28, s30  }
0x3a: {  	s29 =	sshrl.u32 s29, $0x3  }
0x3b: {  	s31 =	simm.s32 $0x900;
	s29 =	sadd.s32 s3, s29  }
0x3c: {  	[tilespmem:s31], [sflag:$0x1] =	stream.linear.gather [hbm4b:s29+s2], $0x80, $0x38;
	[tilespmem:$0x5480] =	vst v63  }
0x3d: {  	s30 =	sadd.s32 $0x80, s29;
	s31 =	simm.s32 $0xD00  }
0x3e: {  	[tilespmem:s31], [sflag:$0x1] =	stream.linear.gather [hbm4b:s30+s2], $0x80, $0x38;
	[tilespmem:$0x5480] =	vst v63  }
0x3f: {  	s30 =	sadd.s32 $0x100, s29;
	s31 =	simm.s32 $0x1100  }
0x40: {  	[tilespmem:s31], [sflag:$0x1] =	stream.linear.gather [hbm4b:s30+s2], $0x80, $0x38;
	[tilespmem:$0x5480] =	vst v63  }
0x41: {  	s30 =	sadd.s32 $0x180, s29;
	s31 =	simm.s32 $0x1500  }
0x42: {  	[tilespmem:s31], [sflag:$0x1] =	stream.linear.gather [hbm4b:s30+s2], $0x80, $0x38;
	[tilespmem:$0x5480] =	vst v63  }
0x43: {  	s30 =	sadd.s32 $0x200, s29;
	s31 =	simm.s32 $0x1900  }
0x44: {  	[tilespmem:s31], [sflag:$0x1] =	stream.linear.gather [hbm4b:s30+s2], $0x80, $0x38;
	[tilespmem:$0x5480] =	vst v63  }
0x45: {  	s30 =	sadd.s32 $0x280, s29;
	s31 =	simm.s32 $0x1D00  }
0x46: {  	[tilespmem:s31], [sflag:$0x1] =	stream.linear.gather [hbm4b:s30+s2], $0x80, $0x38;
	[tilespmem:$0x5480] =	vst v63  }
0x47: {  	s30 =	sadd.s32 $0x300, s29;
	s31 =	simm.s32 $0x2100  }
0x48: {  	[tilespmem:s31], [sflag:$0x1] =	stream.linear.gather [hbm4b:s30+s2], $0x80, $0x38;
	[tilespmem:$0x5480] =	vst v63  }
0x49: {  	s30 =	sadd.s32 $0x380, s29;
	s31 =	simm.s32 $0x2500  }
0x4a: {  	[tilespmem:s31], [sflag:$0x1] =	stream.linear.gather [hbm4b:s30+s2], $0x80, $0x38;
	[tilespmem:$0x5480] =	vst v63  }
0x4b: {  	s29 =	sadd.s32 $0x400, s29;
	s31 =	simm.s32 $0x2900;
	s30 =	sadd.s32 s8, s26  }
0x4c: {  	[tilespmem:s31], [sflag:$0x1] =	stream.linear.gather [hbm4b:s29+s2], $0x80, $0x38;
	[tilespmem:$0x5480] =	vst v63  }
0x4d: {  	s29 =	sor.u32 s28, s30  }
0x4e: {  	s29 =	sshrl.u32 s29, $0x3  }
0x4f: {  	s31 =	simm.s32 $0x980;
	s29 =	sadd.s32 s3, s29  }
0x50: {  	[tilespmem:s31], [sflag:$0x1] =	stream.linear.gather [hbm4b:s29+s2], $0x80, $0x38;
	[tilespmem:$0x5480] =	vst v63  }
0x51: {  	s30 =	sadd.s32 $0x80, s29;
	s31 =	simm.s32 $0xD80  }
0x52: {  	[tilespmem:s31], [sflag:$0x1] =	stream.linear.gather [hbm4b:s30+s2], $0x80, $0x38;
	[tilespmem:$0x5480] =	vst v63  }
0x53: {  	s30 =	sadd.s32 $0x100, s29;
	s31 =	simm.s32 $0x1180  }
0x54: {  	[tilespmem:s31], [sflag:$0x1] =	stream.linear.gather [hbm4b:s30+s2], $0x80, $0x38;
	[tilespmem:$0x5480] =	vst v63  }
0x55: {  	s30 =	sadd.s32 $0x180, s29;
	s31 =	simm.s32 $0x1580  }
0x56: {  	[tilespmem:s31], [sflag:$0x1] =	stream.linear.gather [hbm4b:s30+s2], $0x80, $0x38;
	[tilespmem:$0x5480] =	vst v63  }
0x57: {  	s30 =	sadd.s32 $0x200, s29;
	s31 =	simm.s32 $0x1980  }
0x58: {  	[tilespmem:s31], [sflag:$0x1] =	stream.linear.gather [hbm4b:s30+s2], $0x80, $0x38;
	[tilespmem:$0x5480] =	vst v63  }
0x59: {  	s30 =	sadd.s32 $0x280, s29;
	s31 =	simm.s32 $0x1D80  }
0x5a: {  	[tilespmem:s31], [sflag:$0x1] =	stream.linear.gather [hbm4b:s30+s2], $0x80, $0x38;
	[tilespmem:$0x5480] =	vst v63  }
0x5b: {  	s30 =	sadd.s32 $0x300, s29;
	s31 =	simm.s32 $0x2180  }
0x5c: {  	[tilespmem:s31], [sflag:$0x1] =	stream.linear.gather [hbm4b:s30+s2], $0x80, $0x38;
	[tilespmem:$0x5480] =	vst v63  }
0x5d: {  	s30 =	sadd.s32 $0x380, s29;
	s31 =	simm.s32 $0x2580  }
0x5e: {  	[tilespmem:s31], [sflag:$0x1] =	stream.linear.gather [hbm4b:s30+s2], $0x80, $0x38;
	[tilespmem:$0x5480] =	vst v63  }
0x5f: {  	s29 =	sadd.s32 $0x400, s29;
	s31 =	simm.s32 $0x2980;
	s30 =	sadd.s32 s9, s26  }
0x60: {  	[tilespmem:s31], [sflag:$0x1] =	stream.linear.gather [hbm4b:s29+s2], $0x80, $0x38;
	[tilespmem:$0x5480] =	vst v63  }
0x61: {  	s29 =	sor.u32 s28, s30  }
0x62: {  	s29 =	sshrl.u32 s29, $0x3  }
0x63: {  	s31 =	simm.s32 $0xA00;
	s29 =	sadd.s32 s3, s29  }
0x64: {  	[tilespmem:s31], [sflag:$0x1] =	stream.linear.gather [hbm4b:s29+s2], $0x80, $0x38;
	[tilespmem:$0x5480] =	vst v63  }
0x65: {  	s30 =	sadd.s32 $0x80, s29;
	s31 =	simm.s32 $0xE00  }
0x66: {  	[tilespmem:s31], [sflag:$0x1] =	stream.linear.gather [hbm4b:s30+s2], $0x80, $0x38;
	[tilespmem:$0x5480] =	vst v63  }
0x67: {  	s30 =	sadd.s32 $0x100, s29;
	s31 =	simm.s32 $0x1200  }
0x68: {  	[tilespmem:s31], [sflag:$0x1] =	stream.linear.gather [hbm4b:s30+s2], $0x80, $0x38;
	[tilespmem:$0x5480] =	vst v63  }
0x69: {  	s30 =	sadd.s32 $0x180, s29;
	s31 =	simm.s32 $0x1600  }
0x6a: {  	[tilespmem:s31], [sflag:$0x1] =	stream.linear.gather [hbm4b:s30+s2], $0x80, $0x38;
	[tilespmem:$0x5480] =	vst v63  }
0x6b: {  	s30 =	sadd.s32 $0x200, s29;
	s31 =	simm.s32 $0x1A00  }
0x6c: {  	[tilespmem:s31], [sflag:$0x1] =	stream.linear.gather [hbm4b:s30+s2], $0x80, $0x38;
	[tilespmem:$0x5480] =	vst v63  }
0x6d: {  	s30 =	sadd.s32 $0x280, s29;
	s31 =	simm.s32 $0x1E00  }
0x6e: {  	[tilespmem:s31], [sflag:$0x1] =	stream.linear.gather [hbm4b:s30+s2], $0x80, $0x38;
	[tilespmem:$0x5480] =	vst v63  }
0x6f: {  	s30 =	sadd.s32 $0x300, s29;
	s31 =	simm.s32 $0x2200  }
0x70: {  	[tilespmem:s31], [sflag:$0x1] =	stream.linear.gather [hbm4b:s30+s2], $0x80, $0x38;
	[tilespmem:$0x5480] =	vst v63  }
0x71: {  	s30 =	sadd.s32 $0x380, s29;
	s31 =	simm.s32 $0x2600  }
0x72: {  	[tilespmem:s31], [sflag:$0x1] =	stream.linear.gather [hbm4b:s30+s2], $0x80, $0x38;
	[tilespmem:$0x5480] =	vst v63  }
0x73: {  	s29 =	sadd.s32 $0x400, s29;
	s31 =	simm.s32 $0x2A00;
	s30 =	sadd.s32 s10, s26  }
0x74: {  	[tilespmem:s31], [sflag:$0x1] =	stream.linear.gather [hbm4b:s29+s2], $0x80, $0x38;
	[tilespmem:$0x5480] =	vst v63  }
0x75: {  	s29 =	sor.u32 s28, s30  }
0x76: {  	s29 =	sshrl.u32 s29, $0x3  }
0x77: {  	s31 =	simm.s32 $0xA80;
	s29 =	sadd.s32 s3, s29  }
0x78: {  	[tilespmem:s31], [sflag:$0x1] =	stream.linear.gather [hbm4b:s29+s2], $0x80, $0x38;
	[tilespmem:$0x5480] =	vst v63  }
0x79: {  	s30 =	sadd.s32 $0x80, s29;
	s31 =	simm.s32 $0xE80  }
0x7a: {  	[tilespmem:s31], [sflag:$0x1] =	stream.linear.gather [hbm4b:s30+s2], $0x80, $0x38;
	[tilespmem:$0x5480] =	vst v63  }
0x7b: {  	s30 =	sadd.s32 $0x100, s29;
	s31 =	simm.s32 $0x1280  }
0x7c: {  	[tilespmem:s31], [sflag:$0x1] =	stream.linear.gather [hbm4b:s30+s2], $0x80, $0x38;
	[tilespmem:$0x5480] =	vst v63  }
0x7d: {  	s30 =	sadd.s32 $0x180, s29;
	s31 =	simm.s32 $0x1680  }
0x7e: {  	[tilespmem:s31], [sflag:$0x1] =	stream.linear.gather [hbm4b:s30+s2], $0x80, $0x38;
	[tilespmem:$0x5480] =	vst v63  }
0x7f: {  	s30 =	sadd.s32 $0x200, s29;
	s31 =	simm.s32 $0x1A80  }
0x80: {  	[tilespmem:s31], [sflag:$0x1] =	stream.linear.gather [hbm4b:s30+s2], $0x80, $0x38;
	[tilespmem:$0x5480] =	vst v63  }
0x81: {  	s30 =	sadd.s32 $0x280, s29;
	s31 =	simm.s32 $0x1E80  }
0x82: {  	[tilespmem:s31], [sflag:$0x1] =	stream.linear.gather [hbm4b:s30+s2], $0x80, $0x38;
	[tilespmem:$0x5480] =	vst v63  }
0x83: {  	s30 =	sadd.s32 $0x300, s29;
	s31 =	simm.s32 $0x2280  }
0x84: {  	[tilespmem:s31], [sflag:$0x1] =	stream.linear.gather [hbm4b:s30+s2], $0x80, $0x38;
	[tilespmem:$0x5480] =	vst v63  }
0x85: {  	s30 =	sadd.s32 $0x380, s29;
	s31 =	simm.s32 $0x2680  }
0x86: {  	[tilespmem:s31], [sflag:$0x1] =	stream.linear.gather [hbm4b:s30+s2], $0x80, $0x38;
	[tilespmem:$0x5480] =	vst v63  }
0x87: {  	s29 =	sadd.s32 $0x400, s29;
	s31 =	simm.s32 $0x2A80;
	s30 =	sadd.s32 s11, s26  }
0x88: {  	[tilespmem:s31], [sflag:$0x1] =	stream.linear.gather [hbm4b:s29+s2], $0x80, $0x38;
	[tilespmem:$0x5480] =	vst v63  }
0x89: {  	s29 =	sor.u32 s28, s30  }
0x8a: {  	s29 =	sshrl.u32 s29, $0x3  }
0x8b: {  	s31 =	simm.s32 $0xB00;
	s29 =	sadd.s32 s3, s29  }
0x8c: {  	[tilespmem:s31], [sflag:$0x1] =	stream.linear.gather [hbm4b:s29+s2], $0x80, $0x38;
	[tilespmem:$0x5480] =	vst v63  }
0x8d: {  	s30 =	sadd.s32 $0x80, s29;
	s31 =	simm.s32 $0xF00  }
0x8e: {  	[tilespmem:s31], [sflag:$0x1] =	stream.linear.gather [hbm4b:s30+s2], $0x80, $0x38;
	[tilespmem:$0x5480] =	vst v63  }
0x8f: {  	s30 =	sadd.s32 $0x100, s29;
	s31 =	simm.s32 $0x1300  }
0x90: {  	[tilespmem:s31], [sflag:$0x1] =	stream.linear.gather [hbm4b:s30+s2], $0x80, $0x38;
	[tilespmem:$0x5480] =	vst v63  }
0x91: {  	s30 =	sadd.s32 $0x180, s29;
	s31 =	simm.s32 $0x1700  }
0x92: {  	[tilespmem:s31], [sflag:$0x1] =	stream.linear.gather [hbm4b:s30+s2], $0x80, $0x38;
	[tilespmem:$0x5480] =	vst v63  }
0x93: {  	s30 =	sadd.s32 $0x200, s29;
	s31 =	simm.s32 $0x1B00  }
0x94: {  	[tilespmem:s31], [sflag:$0x1] =	stream.linear.gather [hbm4b:s30+s2], $0x80, $0x38;
	[tilespmem:$0x5480] =	vst v63  }
0x95: {  	s30 =	sadd.s32 $0x280, s29;
	s31 =	simm.s32 $0x1F00  }
0x96: {  	[tilespmem:s31], [sflag:$0x1] =	stream.linear.gather [hbm4b:s30+s2], $0x80, $0x38;
	[tilespmem:$0x5480] =	vst v63  }
0x97: {  	s30 =	sadd.s32 $0x300, s29;
	s31 =	simm.s32 $0x2300  }
0x98: {  	[tilespmem:s31], [sflag:$0x1] =	stream.linear.gather [hbm4b:s30+s2], $0x80, $0x38;
	[tilespmem:$0x5480] =	vst v63  }
0x99: {  	s30 =	sadd.s32 $0x380, s29;
	s31 =	simm.s32 $0x2700  }
0x9a: {  	[tilespmem:s31], [sflag:$0x1] =	stream.linear.gather [hbm4b:s30+s2], $0x80, $0x38;
	[tilespmem:$0x5480] =	vst v63  }
0x9b: {  	s29 =	sadd.s32 $0x400, s29;
	s31 =	simm.s32 $0x2B00;
	s30 =	sadd.s32 s12, s26  }
0x9c: {  	[tilespmem:s31], [sflag:$0x1] =	stream.linear.gather [hbm4b:s29+s2], $0x80, $0x38;
	[tilespmem:$0x5480] =	vst v63  }
0x9d: {  	s29 =	sor.u32 s28, s30  }
0x9e: {  	s29 =	sshrl.u32 s29, $0x3  }
0x9f: {  	s31 =	simm.s32 $0xB80;
	s29 =	sadd.s32 s3, s29  }
0xa0: {  	[tilespmem:s31], [sflag:$0x1] =	stream.linear.gather [hbm4b:s29+s2], $0x80, $0x38;
	[tilespmem:$0x5480] =	vst v63  }
0xa1: {  	s30 =	sadd.s32 $0x80, s29;
	s31 =	simm.s32 $0xF80  }
0xa2: {  	[tilespmem:s31], [sflag:$0x1] =	stream.linear.gather [hbm4b:s30+s2], $0x80, $0x38;
	[tilespmem:$0x5480] =	vst v63  }
0xa3: {  	s30 =	sadd.s32 $0x100, s29;
	s31 =	simm.s32 $0x1380  }
0xa4: {  	[tilespmem:s31], [sflag:$0x1] =	stream.linear.gather [hbm4b:s30+s2], $0x80, $0x38;
	[tilespmem:$0x5480] =	vst v63  }
0xa5: {  	s30 =	sadd.s32 $0x180, s29;
	s31 =	simm.s32 $0x1780  }
0xa6: {  	[tilespmem:s31], [sflag:$0x1] =	stream.linear.gather [hbm4b:s30+s2], $0x80, $0x38;
	[tilespmem:$0x5480] =	vst v63  }
0xa7: {  	s30 =	sadd.s32 $0x200, s29;
	s31 =	simm.s32 $0x1B80  }
0xa8: {  	[tilespmem:s31], [sflag:$0x1] =	stream.linear.gather [hbm4b:s30+s2], $0x80, $0x38;
	[tilespmem:$0x5480] =	vst v63  }
0xa9: {  	s30 =	sadd.s32 $0x280, s29;
	s31 =	simm.s32 $0x1F80  }
0xaa: {  	[tilespmem:s31], [sflag:$0x1] =	stream.linear.gather [hbm4b:s30+s2], $0x80, $0x38;
	[tilespmem:$0x5480] =	vst v63  }
0xab: {  	s30 =	sadd.s32 $0x300, s29;
	s31 =	simm.s32 $0x2380  }
0xac: {  	[tilespmem:s31], [sflag:$0x1] =	stream.linear.gather [hbm4b:s30+s2], $0x80, $0x38;
	[tilespmem:$0x5480] =	vst v63  }
0xad: {  	s30 =	sadd.s32 $0x380, s29;
	s31 =	simm.s32 $0x2780  }
0xae: {  	[tilespmem:s31], [sflag:$0x1] =	stream.linear.gather [hbm4b:s30+s2], $0x80, $0x38;
	[tilespmem:$0x5480] =	vst v63  }
0xaf: {  	s29 =	sadd.s32 $0x400, s29;
	s31 =	simm.s32 $0x2B80;
	s30 =	sadd.s32 s13, s26  }
0xb0: {  	[tilespmem:s31], [sflag:$0x1] =	stream.linear.gather [hbm4b:s29+s2], $0x80, $0x38;
	[tilespmem:$0x5480] =	vst v63  }
0xb1: {  	s29 =	sor.u32 s28, s30  }
0xb2: {  	s29 =	sshrl.u32 s29, $0x3  }
0xb3: {  	s31 =	simm.s32 $0xC00;
	s29 =	sadd.s32 s3, s29  }
0xb4: {  	[tilespmem:s31], [sflag:$0x1] =	stream.linear.gather [hbm4b:s29+s2], $0x80, $0x38;
	[tilespmem:$0x5480] =	vst v63  }
0xb5: {  	s30 =	sadd.s32 $0x80, s29;
	s31 =	simm.s32 $0x1000  }
0xb6: {  	[tilespmem:s31], [sflag:$0x1] =	stream.linear.gather [hbm4b:s30+s2], $0x80, $0x38;
	[tilespmem:$0x5480] =	vst v63  }
0xb7: {  	s30 =	sadd.s32 $0x100, s29;
	s31 =	simm.s32 $0x1400  }
0xb8: {  	[tilespmem:s31], [sflag:$0x1] =	stream.linear.gather [hbm4b:s30+s2], $0x80, $0x38;
	[tilespmem:$0x5480] =	vst v63  }
0xb9: {  	s30 =	sadd.s32 $0x180, s29;
	s31 =	simm.s32 $0x1800  }
0xba: {  	[tilespmem:s31], [sflag:$0x1] =	stream.linear.gather [hbm4b:s30+s2], $0x80, $0x38;
	[tilespmem:$0x5480] =	vst v63  }
0xbb: {  	s30 =	sadd.s32 $0x200, s29;
	s31 =	simm.s32 $0x1C00  }
0xbc: {  	[tilespmem:s31], [sflag:$0x1] =	stream.linear.gather [hbm4b:s30+s2], $0x80, $0x38;
	[tilespmem:$0x5480] =	vst v63  }
0xbd: {  	s30 =	sadd.s32 $0x280, s29;
	s31 =	simm.s32 $0x2000  }
0xbe: {  	[tilespmem:s31], [sflag:$0x1] =	stream.linear.gather [hbm4b:s30+s2], $0x80, $0x38;
	[tilespmem:$0x5480] =	vst v63  }
0xbf: {  	s30 =	sadd.s32 $0x300, s29;
	s31 =	simm.s32 $0x2400  }
0xc0: {  	[tilespmem:s31], [sflag:$0x1] =	stream.linear.gather [hbm4b:s30+s2], $0x80, $0x38;
	[tilespmem:$0x5480] =	vst v63  }
0xc1: {  	s30 =	sadd.s32 $0x380, s29;
	s31 =	simm.s32 $0x2800  }
0xc2: {  	[tilespmem:s31], [sflag:$0x1] =	stream.linear.gather [hbm4b:s30+s2], $0x80, $0x38;
	[tilespmem:$0x5480] =	vst v63  }
0xc3: {  	s29 =	sadd.s32 $0x400, s29;
	s31 =	simm.s32 $0x2C00;
	s30 =	sadd.s32 s14, s26  }
0xc4: {  	[tilespmem:s31], [sflag:$0x1] =	stream.linear.gather [hbm4b:s29+s2], $0x80, $0x38;
	[tilespmem:$0x5480] =	vst v63  }
0xc5: {  	s29 =	sor.u32 s28, s30  }
0xc6: {  	s29 =	sshrl.u32 s29, $0x3  }
0xc7: {  	s31 =	simm.s32 $0x2C80;
	s29 =	sadd.s32 s3, s29  }
0xc8: {  	[tilespmem:s31], [sflag:$0x1] =	stream.linear.gather [hbm4b:s29+s2], $0x80, $0x38;
	[tilespmem:$0x5480] =	vst v63  }
0xc9: {  	s30 =	sadd.s32 $0x80, s29;
	s31 =	simm.s32 $0x3080  }
0xca: {  	[tilespmem:s31], [sflag:$0x1] =	stream.linear.gather [hbm4b:s30+s2], $0x80, $0x38;
	[tilespmem:$0x5480] =	vst v63  }
0xcb: {  	s30 =	sadd.s32 $0x100, s29;
	s31 =	simm.s32 $0x3480  }
0xcc: {  	[tilespmem:s31], [sflag:$0x1] =	stream.linear.gather [hbm4b:s30+s2], $0x80, $0x38;
	[tilespmem:$0x5480] =	vst v63  }
0xcd: {  	s30 =	sadd.s32 $0x180, s29;
	s31 =	simm.s32 $0x3880  }
0xce: {  	[tilespmem:s31], [sflag:$0x1] =	stream.linear.gather [hbm4b:s30+s2], $0x80, $0x38;
	[tilespmem:$0x5480] =	vst v63  }
0xcf: {  	s30 =	sadd.s32 $0x200, s29;
	s31 =	simm.s32 $0x3C80  }
0xd0: {  	[tilespmem:s31], [sflag:$0x1] =	stream.linear.gather [hbm4b:s30+s2], $0x80, $0x38;
	[tilespmem:$0x5480] =	vst v63  }
0xd1: {  	s30 =	sadd.s32 $0x280, s29;
	s31 =	simm.s32 $0x4080  }
0xd2: {  	[tilespmem:s31], [sflag:$0x1] =	stream.linear.gather [hbm4b:s30+s2], $0x80, $0x38;
	[tilespmem:$0x5480] =	vst v63  }
0xd3: {  	s30 =	sadd.s32 $0x300, s29;
	s31 =	simm.s32 $0x4480  }
0xd4: {  	[tilespmem:s31], [sflag:$0x1] =	stream.linear.gather [hbm4b:s30+s2], $0x80, $0x38;
	[tilespmem:$0x5480] =	vst v63  }
0xd5: {  	s30 =	sadd.s32 $0x380, s29;
	s31 =	simm.s32 $0x4880  }
0xd6: {  	[tilespmem:s31], [sflag:$0x1] =	stream.linear.gather [hbm4b:s30+s2], $0x80, $0x38;
	[tilespmem:$0x5480] =	vst v63  }
0xd7: {  	s29 =	sadd.s32 $0x400, s29;
	s31 =	simm.s32 $0x4C80;
	s30 =	sadd.s32 s15, s26  }
0xd8: {  	[tilespmem:s31], [sflag:$0x1] =	stream.linear.gather [hbm4b:s29+s2], $0x80, $0x38;
	[tilespmem:$0x5480] =	vst v63  }
0xd9: {  	s29 =	sor.u32 s28, s30  }
0xda: {  	s29 =	sshrl.u32 s29, $0x3  }
0xdb: {  	s31 =	simm.s32 $0x2D00;
	s29 =	sadd.s32 s3, s29  }
0xdc: {  	[tilespmem:s31], [sflag:$0x1] =	stream.linear.gather [hbm4b:s29+s2], $0x80, $0x38;
	[tilespmem:$0x5480] =	vst v63  }
0xdd: {  	s30 =	sadd.s32 $0x80, s29;
	s31 =	simm.s32 $0x3100  }
0xde: {  	[tilespmem:s31], [sflag:$0x1] =	stream.linear.gather [hbm4b:s30+s2], $0x80, $0x38;
	[tilespmem:$0x5480] =	vst v63  }
0xdf: {  	s30 =	sadd.s32 $0x100, s29;
	s31 =	simm.s32 $0x3500  }
0xe0: {  	[tilespmem:s31], [sflag:$0x1] =	stream.linear.gather [hbm4b:s30+s2], $0x80, $0x38;
	[tilespmem:$0x5480] =	vst v63  }
0xe1: {  	s30 =	sadd.s32 $0x180, s29;
	s31 =	simm.s32 $0x3900  }
0xe2: {  	[tilespmem:s31], [sflag:$0x1] =	stream.linear.gather [hbm4b:s30+s2], $0x80, $0x38;
	[tilespmem:$0x5480] =	vst v63  }
0xe3: {  	s30 =	sadd.s32 $0x200, s29;
	s31 =	simm.s32 $0x3D00  }
0xe4: {  	[tilespmem:s31], [sflag:$0x1] =	stream.linear.gather [hbm4b:s30+s2], $0x80, $0x38;
	[tilespmem:$0x5480] =	vst v63  }
0xe5: {  	s30 =	sadd.s32 $0x280, s29;
	s31 =	simm.s32 $0x4100  }
0xe6: {  	[tilespmem:s31], [sflag:$0x1] =	stream.linear.gather [hbm4b:s30+s2], $0x80, $0x38;
	[tilespmem:$0x5480] =	vst v63  }
0xe7: {  	s30 =	sadd.s32 $0x300, s29;
	s31 =	simm.s32 $0x4500  }
0xe8: {  	[tilespmem:s31], [sflag:$0x1] =	stream.linear.gather [hbm4b:s30+s2], $0x80, $0x38;
	[tilespmem:$0x5480] =	vst v63  }
0xe9: {  	s30 =	sadd.s32 $0x380, s29;
	s31 =	simm.s32 $0x4900  }
0xea: {  	[tilespmem:s31], [sflag:$0x1] =	stream.linear.gather [hbm4b:s30+s2], $0x80, $0x38;
	[tilespmem:$0x5480] =	vst v63  }
0xeb: {  	s29 =	sadd.s32 $0x400, s29;
	s31 =	simm.s32 $0x4D00;
	s30 =	sadd.s32 s16, s26  }
0xec: {  	[tilespmem:s31], [sflag:$0x1] =	stream.linear.gather [hbm4b:s29+s2], $0x80, $0x38;
	[tilespmem:$0x5480] =	vst v63  }
0xed: {  	s29 =	sor.u32 s28, s30  }
0xee: {  	s29 =	sshrl.u32 s29, $0x3  }
0xef: {  	s31 =	simm.s32 $0x2D80;
	s29 =	sadd.s32 s3, s29  }
0xf0: {  	[tilespmem:s31], [sflag:$0x1] =	stream.linear.gather [hbm4b:s29+s2], $0x80, $0x38;
	[tilespmem:$0x5480] =	vst v63  }
0xf1: {  	s30 =	sadd.s32 $0x80, s29;
	s31 =	simm.s32 $0x3180  }
0xf2: {  	[tilespmem:s31], [sflag:$0x1] =	stream.linear.gather [hbm4b:s30+s2], $0x80, $0x38;
	[tilespmem:$0x5480] =	vst v63  }
0xf3: {  	s30 =	sadd.s32 $0x100, s29;
	s31 =	simm.s32 $0x3580  }
0xf4: {  	[tilespmem:s31], [sflag:$0x1] =	stream.linear.gather [hbm4b:s30+s2], $0x80, $0x38;
	[tilespmem:$0x5480] =	vst v63  }
0xf5: {  	s30 =	sadd.s32 $0x180, s29;
	s31 =	simm.s32 $0x3980  }
0xf6: {  	[tilespmem:s31], [sflag:$0x1] =	stream.linear.gather [hbm4b:s30+s2], $0x80, $0x38;
	[tilespmem:$0x5480] =	vst v63  }
0xf7: {  	s30 =	sadd.s32 $0x200, s29;
	s31 =	simm.s32 $0x3D80  }
0xf8: {  	[tilespmem:s31], [sflag:$0x1] =	stream.linear.gather [hbm4b:s30+s2], $0x80, $0x38;
	[tilespmem:$0x5480] =	vst v63  }
0xf9: {  	s30 =	sadd.s32 $0x280, s29;
	s31 =	simm.s32 $0x4180  }
0xfa: {  	[tilespmem:s31], [sflag:$0x1] =	stream.linear.gather [hbm4b:s30+s2], $0x80, $0x38;
	[tilespmem:$0x5480] =	vst v63  }
0xfb: {  	s26 =	sadd.s32 s17, s26;
	s30 =	sadd.s32 $0x300, s29;
	s31 =	simm.s32 $0x4580  }
0xfc: {  	[tilespmem:s31], [sflag:$0x1] =	stream.linear.gather [hbm4b:s30+s2], $0x80, $0x38;
	[tilespmem:$0x5480] =	vst v63  }
0xfd: {  	s26 =	sor.u32 s28, s26;
	s30 =	sadd.s32 $0x380, s29;
	s31 =	simm.s32 $0x4980  }
0xfe: {  	[tilespmem:s31], [sflag:$0x1] =	stream.linear.gather [hbm4b:s30+s2], $0x80, $0x38;
	[tilespmem:$0x5480] =	vst v63  }
0xff: {  	s26 =	sshrl.u32 s26, $0x3;
	s29 =	sadd.s32 $0x400, s29;
	s31 =	simm.s32 $0x4D80  }
0x100: {  	[tilespmem:s31], [sflag:$0x1] =	stream.linear.gather [hbm4b:s29+s2], $0x80, $0x38;
	[tilespmem:$0x5480] =	vst v63  }
0x101: {  	s28 =	simm.s32 $0x2E00;
	s26 =	sadd.s32 s3, s26  }
0x102: {  	[tilespmem:s28], [sflag:$0x1] =	stream.linear.gather [hbm4b:s26+s2], $0x80, $0x38;
	[tilespmem:$0x5480] =	vst v63  }
0x103: {  	s31 =	simm.s32 $0x3200;
	s28 =	sadd.s32 $0x80, s26  }
0x104: {  	[tilespmem:s31], [sflag:$0x1] =	stream.linear.gather [hbm4b:s28+s2], $0x80, $0x38;
	[tilespmem:$0x5480] =	vst v63  }
0x105: {  	s30 =	simm.s32 $0x3600;
	s28 =	sadd.s32 $0x100, s26  }
0x106: {  	[tilespmem:s30], [sflag:$0x1] =	stream.linear.gather [hbm4b:s28+s2], $0x80, $0x38;
	[tilespmem:$0x5480] =	vst v63  }
0x107: {  	s31 =	simm.s32 $0x3A00;
	s28 =	sadd.s32 $0x180, s26  }
0x108: {  	[tilespmem:s31], [sflag:$0x1] =	stream.linear.gather [hbm4b:s28+s2], $0x80, $0x38;
	[tilespmem:$0x5480] =	vst v63  }
0x109: {  	s30 =	simm.s32 $0x3E00;
	s28 =	sadd.s32 $0x200, s26  }
0x10a: {  	[tilespmem:s30], [sflag:$0x1] =	stream.linear.gather [hbm4b:s28+s2], $0x80, $0x38;
	[tilespmem:$0x5480] =	vst v63  }
0x10b: {  	s31 =	simm.s32 $0x4200;
	s28 =	sadd.s32 $0x280, s26  }
0x10c: {  	[tilespmem:s31], [sflag:$0x1] =	stream.linear.gather [hbm4b:s28+s2], $0x80, $0x38;
	[tilespmem:$0x5480] =	vst v63  }
0x10d: {  	s30 =	simm.s32 $0x4600;
	s28 =	sadd.s32 $0x300, s26  }
0x10e: {  	[tilespmem:s30], [sflag:$0x1] =	stream.linear.gather [hbm4b:s28+s2], $0x80, $0x38;
	[tilespmem:$0x5480] =	vst v63  }
0x10f: {  	s31 =	simm.s32 $0x4A00;
	s28 =	sadd.s32 $0x380, s26  }
0x110: {  	[tilespmem:s31], [sflag:$0x1] =	stream.linear.gather [hbm4b:s28+s2], $0x80, $0x38;
	[tilespmem:$0x5480] =	vst v63  }
0x111: {  	s29 =	simm.s32 $0x1;
	s26 =	sadd.s32 $0x400, s26  }
0x112: {  	[tilespmem:s0], [sflag:$0x1] =	stream.linear.gather [hbm4b:s26+s2], $0x80, $0x38;
	[tilespmem:$0x5480] =	vst v63  }
0x113: {  	_ =	swait.ge [sflag:s29], $0x480  }
0x114: {  	[sflag:s29] =	ssyncset.done $0x0  }
0x115: {  	[sflag:s29] =	ssyncadd.s32 $0xFFFFFB80  }
0x116: {  	_ =	swait.ge [sflag:s29], $0x480  }
0x117: {  	[sflag:s29] =	ssyncset.done $0x0  }
0x118: {  	[sflag:s29] =	ssyncadd.s32 $0xFFFFFB80  }
0x119: {  	_ =	swait.ge [sflag:s29], $0x480  }
0x11a: {  	[sflag:s29] =	ssyncset.done $0x0  }
0x11b: {  	[sflag:s29] =	ssyncadd.s32 $0xFFFFFB80  }
0x11c: {  	_ =	swait.ge [sflag:s29], $0x480  }
0x11d: {  	[sflag:s29] =	ssyncset.done $0x0  }
0x11e: {  	[sflag:s29] =	ssyncadd.s32 $0xFFFFFB80  }
0x11f: {  	_ =	swait.ge [sflag:s29], $0x480  }
0x120: {  	[sflag:s29] =	ssyncset.done $0x0  }
0x121: {  	[sflag:s29] =	ssyncadd.s32 $0xFFFFFB80  }
0x122: {  	_ =	swait.ge [sflag:s29], $0x480  }
0x123: {  	[sflag:s29] =	ssyncset.done $0x0  }
0x124: {  	[sflag:s29] =	ssyncadd.s32 $0xFFFFFB80  }
0x125: {  	_ =	swait.ge [sflag:s29], $0x480  }
0x126: {  	[sflag:s29] =	ssyncset.done $0x0  }
0x127: {  	[sflag:s29] =	ssyncadd.s32 $0xFFFFFB80  }
0x128: {  	_ =	swait.ge [sflag:s29], $0x480  }
0x129: {  	[sflag:s29] =	ssyncset.done $0x0  }
0x12a: {  	[sflag:s29] =	ssyncadd.s32 $0xFFFFFB80  }
0x12b: {  	_ =	swait.ge [sflag:s29], $0x480  }
0x12c: {  	[sflag:s29] =	ssyncset.done $0x0  }
0x12d: {  	[sflag:s29] =	ssyncadd.s32 $0xFFFFFB80  }
0x12e: {  	_ =	swait.ge [sflag:s29], $0x480  }
0x12f: {  	[sflag:s29] =	ssyncset.done $0x0  }
0x130: {  	v1 =	vadd.s32 s29, v0;
	[sflag:s29] =	ssyncadd.s32 $0xFFFFFB80  }
0x131: {  	v2 =	vshll.u32 v1, $0x3;
	_ =	swait.ge [sflag:s29], $0x480  }
0x132: {  	v1 =	vand.u32 $0x7F, v1;
	v2 =	vand.u32 $0x7FFFFC00, v2;
	[sflag:s29] =	ssyncset.done $0x0  }
0x133: {  	v1 =	vor.u32 v1, v2;
	[sflag:s29] =	ssyncadd.s32 $0xFFFFFB80  }
0x134: {  	v2 =	vor.u32 $0x80, v1;
	_ =	swait.ge [sflag:s29], $0x480  }
0x135: {  	[sflag:s29] =	ssyncset.done $0x0  }
0x136: {  	v3 =	vor.u32 $0x100, v1;
	[sflag:s29] =	ssyncadd.s32 $0xFFFFFB80  }
0x137: {  	v4 =	vld [tilespmem:$0x80]  }
0x138: {  	v6 =	vor.u32 $0x180, v1;
	v5 =	vld.idx.msk [tilespmem:v1+s23+$0x0], $0xffff  }
0x139: {  	v2 =	vld.idx.msk [tilespmem:v2+s23+$0x0], $0xffff  }
0x13a: {  	v7 =	vld [tilespmem:$0x100]  }
0x13b: {  	v8 =	vor.u32 $0x200, v1;
	v3 =	vld.idx.msk [tilespmem:v3+s23+$0x0], $0xffff  }
0x13c: {  	v9 =	vld [tilespmem:$0x180]  }
0x13d: {  	v10 =	vor.u32 $0x280, v1;
	v6 =	vld.idx.msk [tilespmem:v6+s23+$0x0], $0xffff  }
0x13e: {  	v12 =	vld [tilespmem:$0x200];
	v11 =	vadd.f32 $0.0e+00, v5  }
0x13f: {  	v13 =	vor.u32 $0x300, v1;
	v30 =	vld [tilespmem:$0x280];
	vm1 =	vge.f32 v5, v4;
	vm2 =	vge.f32 v2, v7  }
0x140: {  	v31 =	vor.u32 $0x380, v1;
	v4 =	vld.idx.msk [tilespmem:v8+s23+$0x0], $0xffff;
	v2 =	vnsel vm2, $0x0, v2;
	v5 =	vnsel vm1, $0x0, v11  }
0x141: {  	v32 =	vld [tilespmem:$0x300];
	vm1 =	vge.f32 v3, v9;
	v2 =	vadd.f32 v2, v5  }
0x142: {  	v5 =	vld.idx.msk [tilespmem:v10+s23+$0x0], $0xffff;
	v3 =	vnsel vm1, $0x0, v3  }
0x143: {  	v33 =	vadd.s32 $0x2400, v1;
	v34 =	vld [tilespmem:$0x380];
	vm1 =	vge.f32 v6, v12;
	v2 =	vadd.f32 v3, v2  }
0x144: {  	v6 =	vnsel vm1, $0x0, v6;
	v3 =	vld.idx.msk [tilespmem:v13+s23+$0x0], $0xffff  }
0x145: {  	v35 =	vadd.s32 $0x2480, v1;
	v36 =	vld.idx.msk [tilespmem:v31+s23+$0x0], $0xffff;
	vm1 =	vge.f32 v4, v30;
	v2 =	vadd.f32 v6, v2  }
0x146: {  	v37 =	vld [tilespmem:$0x400];
	v4 =	vnsel vm1, $0x0, v4  }
0x147: {  	v38 =	vadd.s32 $0x2500, v1;
	v39 =	vld [tilespmem:$0x480];
	vm1 =	vge.f32 v5, v32;
	v2 =	vadd.f32 v4, v2  }
0x148: {  	v4 =	vld.idx.msk [tilespmem:v33+s23+$0x0], $0xffff;
	v5 =	vnsel vm1, $0x0, v5  }
0x149: {  	v1 =	vadd.s32 $0x2580, v1;
	v40 =	vld [tilespmem:$0x500];
	vm1 =	vge.f32 v3, v34;
	v2 =	vadd.f32 v5, v2  }
0x14a: {  	v5 =	vld.idx.msk [tilespmem:v35+s23+$0x0], $0xffff;
	v3 =	vnsel vm1, $0x0, v3  }
0x14b: {  	v41 =	vld [tilespmem:$0x580];
	vm1 =	vge.f32 v36, v37;
	v2 =	vadd.f32 v3, v2  }
0x14c: {  	v6 =	vnsel vm1, $0x0, v36;
	v3 =	vld.idx.msk [tilespmem:v38+s23+$0x0], $0xffff  }
0x14d: {  	v42 =	vld [tilespmem:$0x600];
	vm1 =	vge.f32 v4, v39;
	v2 =	vadd.f32 v6, v2  }
0x14e: {  	v1 =	vld.idx.msk [tilespmem:v1+s23+$0x0], $0xffff;
	v4 =	vnsel vm1, $0x0, v4  }
0x14f: {  	vm1 =	vge.f32 v5, v40;
	v2 =	vadd.f32 v4, v2  }
0x150: {  	v4 =	vnsel vm1, $0x0, v5  }
0x151: {  	vm1 =	vge.f32 v3, v41;
	v2 =	vadd.f32 v4, v2  }
0x152: {  	s30 =	simm.s32 $0x11;
	v3 =	vnsel vm1, $0x0, v3  }
0x153: {  	v4 =	vadd.s32 s30, v0;
	vm1 =	vge.f32 v1, v42;
	v2 =	vadd.f32 v3, v2  }
0x154: {  	v1 =	vnsel vm1, $0x0, v1;
	v3 =	vshll.u32 v4, $0x3  }
0x155: {  	v4 =	vand.u32 $0x7F, v4;
	v3 =	vand.u32 $0x7FFFFC00, v3;
	v1 =	vadd.f32 v1, v2  }
0x156: {  	v2 =	vor.u32 v4, v3  }
0x157: {  	v1 =	vmul.f32 $8.333333580e-02, v1  }
0x158: {  	v3 =	vor.u32 $0x80, v2  }
0x159: {  	[tilespmem:s24+$0x0] =	vst v1  }
0x15a: {  	v4 =	vor.u32 $0x100, v2;
	v1 =	vld [tilespmem:$0x80]  }
0x15b: {  	v5 =	vld.idx.msk [tilespmem:v2+s23+$0x0], $0xffff  }
0x15c: {  	v43 =	vor.u32 $0x180, v2;
	v44 =	vld [tilespmem:$0x100]  }
0x15d: {  	v3 =	vld.idx.msk [tilespmem:v3+s23+$0x0], $0xffff  }
0x15e: {  	v45 =	vor.u32 $0x200, v2;
	v46 =	vld [tilespmem:$0x180]  }
0x15f: {  	v4 =	vld.idx.msk [tilespmem:v4+s23+$0x0], $0xffff  }
0x160: {  	v47 =	vor.u32 $0x280, v2;
	v49 =	vld [tilespmem:$0x200]  }
0x161: {  	v6 =	vld.idx.msk [tilespmem:v43+s23+$0x0], $0xffff;
	v48 =	vadd.f32 $0.0e+00, v5  }
0x162: {  	v50 =	vor.u32 $0x300, v2;
	v51 =	vld [tilespmem:$0x280];
	vm1 =	vge.f32 v5, v1;
	vm2 =	vge.f32 v3, v44  }
0x163: {  	v1 =	vld.idx.msk [tilespmem:v45+s23+$0x0], $0xffff;
	v5 =	vnsel vm1, $0x0, v48;
	v3 =	vnsel vm2, $0x0, v3  }
0x164: {  	v52 =	vor.u32 $0x380, v2;
	v53 =	vld [tilespmem:$0x300];
	vm1 =	vge.f32 v4, v46;
	v3 =	vadd.f32 v3, v5  }
0x165: {  	v5 =	vld.idx.msk [tilespmem:v47+s23+$0x0], $0xffff;
	v4 =	vnsel vm1, $0x0, v4  }
0x166: {  	v54 =	vadd.s32 $0x2400, v2;
	v55 =	vld [tilespmem:$0x380];
	vm1 =	vge.f32 v6, v49;
	v3 =	vadd.f32 v4, v3  }
0x167: {  	v6 =	vnsel vm1, $0x0, v6;
	v4 =	vld.idx.msk [tilespmem:v50+s23+$0x0], $0xffff  }
0x168: {  	v56 =	vadd.s32 $0x2480, v2;
	v58 =	vld [tilespmem:$0x400];
	vm1 =	vge.f32 v1, v51;
	v3 =	vadd.f32 v6, v3  }
0x169: {  	v57 =	vld.idx.msk [tilespmem:v52+s23+$0x0], $0xffff;
	v1 =	vnsel vm1, $0x0, v1  }
0x16a: {  	v59 =	vadd.s32 $0x2500, v2;
	v60 =	vld [tilespmem:$0x480];
	vm1 =	vge.f32 v5, v53;
	v1 =	vadd.f32 v1, v3  }
0x16b: {  	v3 =	vld.idx.msk [tilespmem:v54+s23+$0x0], $0xffff;
	v5 =	vnsel vm1, $0x0, v5  }
0x16c: {  	v2 =	vadd.s32 $0x2580, v2;
	v61 =	vld [tilespmem:$0x500];
	vm1 =	vge.f32 v4, v55;
	v1 =	vadd.f32 v5, v1  }
0x16d: {  	v5 =	vld.idx.msk [tilespmem:v56+s23+$0x0], $0xffff;
	v4 =	vnsel vm1, $0x0, v4  }
0x16e: {  	v62 =	vld [tilespmem:$0x580];
	vm1 =	vge.f32 v57, v58;
	v1 =	vadd.f32 v4, v1  }
0x16f: {  	v6 =	vnsel vm1, $0x0, v57;
	v4 =	vld.idx.msk [tilespmem:v59+s23+$0x0], $0xffff  }
0x170: {  	v63 =	vld [tilespmem:$0x600];
	vm1 =	vge.f32 v3, v60;
	v6 =	vadd.f32 v6, v1  }
0x171: {  	v1 =	vld.idx.msk [tilespmem:v2+s23+$0x0], $0xffff;
	v2 =	vnsel vm1, $0x0, v3  }
0x172: {  	vm1 =	vge.f32 v5, v61;
	v2 =	vadd.f32 v2, v6  }
0x173: {  	v3 =	vnsel vm1, $0x0, v5  }
0x174: {  	vm1 =	vge.f32 v4, v62;
	v3 =	vadd.f32 v3, v2  }
0x175: {  	s31 =	simm.s32 $0x21;
	v4 =	vnsel vm1, $0x0, v4  }
0x176: {  	s28 =	simm.s32 $0x31;
	s26 =	simm.s32 $0x5080;
	v2 =	vadd.s32 s31, v0;
	vm1 =	vge.f32 v1, v63;
	v3 =	vadd.f32 v4, v3  }
.LBB2_2:
0x177: {  	p0 =	sne.s32 s28, $0x3F1;
	v4 =	vshll.u32 v2, $0x3;
	v1 =	vnsel vm1, $0x0, v1  }
0x178: {  	v2 =	vand.u32 $0x7F, v2;
	v4 =	vand.u32 $0x7FFFFC00, v4;
	v1 =	vadd.f32 v1, v3  }
0x179: {  	v2 =	vor.u32 v2, v4  }
0x17a: {  	v3 =	vor.u32 $0x80, v2;
	v1 =	vmul.f32 $8.333333580e-02, v1  }
0x17b: {  	s26 =	sadd.s32 $0x10, s26  }
0x17c: {  	v4 =	vor.u32 $0x100, v2;
	[tilespmem:s26+$0x0] =	vst v1  }
0x17d: {  	v1 =	vld [tilespmem:$0x80]  }
0x17e: {  	v6 =	vor.u32 $0x180, v2;
	v5 =	vld.idx.msk [tilespmem:v2+s23+$0x0], $0xffff  }
0x17f: {  	v3 =	vld.idx.msk [tilespmem:v3+s23+$0x0], $0xffff  }
0x180: {  	v8 =	vor.u32 $0x200, v2;
	v7 =	vld [tilespmem:$0x100]  }
0x181: {  	v4 =	vld.idx.msk [tilespmem:v4+s23+$0x0], $0xffff  }
0x182: {  	v10 =	vor.u32 $0x280, v2;
	v9 =	vld [tilespmem:$0x180]  }
0x183: {  	v6 =	vld.idx.msk [tilespmem:v6+s23+$0x0], $0xffff  }
0x184: {  	v13 =	vor.u32 $0x300, v2;
	v11 =	vadd.f32 $0.0e+00, v5;
	v12 =	vld [tilespmem:$0x200]  }
0x185: {  	vm1 =	vge.f32 v5, v1;
	vm2 =	vge.f32 v3, v7;
	v1 =	vld.idx.msk [tilespmem:v8+s23+$0x0], $0xffff  }
0x186: {  	v5 =	vnsel vm1, $0x0, v11;
	v8 =	vor.u32 $0x380, v2;
	v3 =	vnsel vm2, $0x0, v3;
	v7 =	vld [tilespmem:$0x280]  }
0x187: {  	v3 =	vadd.f32 v3, v5;
	vm1 =	vge.f32 v4, v9;
	v5 =	vld.idx.msk [tilespmem:v10+s23+$0x0], $0xffff  }
0x188: {  	v10 =	vadd.s32 $0x2400, v2;
	v4 =	vnsel vm1, $0x0, v4;
	v9 =	vld [tilespmem:$0x300]  }
0x189: {  	v3 =	vadd.f32 v4, v3;
	vm1 =	vge.f32 v6, v12;
	v4 =	vld.idx.msk [tilespmem:v13+s23+$0x0], $0xffff  }
0x18a: {  	v12 =	vadd.s32 $0x2480, v2;
	v6 =	vnsel vm1, $0x0, v6;
	v11 =	vld [tilespmem:$0x380]  }
0x18b: {  	v3 =	vadd.f32 v6, v3;
	vm1 =	vge.f32 v1, v7;
	v6 =	vld.idx.msk [tilespmem:v8+s23+$0x0], $0xffff  }
0x18c: {  	v8 =	vadd.s32 $0x2500, v2;
	v1 =	vnsel vm1, $0x0, v1;
	v7 =	vld [tilespmem:$0x400]  }
0x18d: {  	v1 =	vadd.f32 v1, v3;
	vm1 =	vge.f32 v5, v9;
	v3 =	vld.idx.msk [tilespmem:v10+s23+$0x0], $0xffff  }
0x18e: {  	v2 =	vadd.s32 $0x2580, v2;
	v5 =	vnsel vm1, $0x0, v5;
	v9 =	vld [tilespmem:$0x480]  }
0x18f: {  	v1 =	vadd.f32 v5, v1;
	vm1 =	vge.f32 v4, v11;
	v5 =	vld.idx.msk [tilespmem:v12+s23+$0x0], $0xffff  }
0x190: {  	v4 =	vnsel vm1, $0x0, v4;
	v10 =	vld [tilespmem:$0x500]  }
0x191: {  	v1 =	vadd.f32 v4, v1;
	vm1 =	vge.f32 v6, v7;
	v4 =	vld.idx.msk [tilespmem:v8+s23+$0x0], $0xffff  }
0x192: {  	v6 =	vnsel vm1, $0x0, v6;
	v7 =	vld [tilespmem:$0x580]  }
0x193: {  	v6 =	vadd.f32 v6, v1;
	vm1 =	vge.f32 v3, v9;
	v1 =	vld.idx.msk [tilespmem:v2+s23+$0x0], $0xffff  }
0x194: {  	v2 =	vnsel vm1, $0x0, v3;
	v8 =	vld [tilespmem:$0x600]  }
.Ltmp0:
0x195: {  	v2 =	vadd.f32 v2, v6;
	vm1 =	vge.f32 v5, v10;
	(pc) =	sbr.rel @p0 .LBB2_2-.Ltmp0, $4  }
0x196: {  	v3 =	vnsel vm1, $0x0, v5  }
0x197: {  	v3 =	vadd.f32 v3, v2;
	vm1 =	vge.f32 v4, v7  }
0x198: {  	v4 =	vnsel vm1, $0x0, v4  }
0x199: {  	v2 =	vadd.s32 s28, v0;
	s28 =	sadd.s32 $0x10, s28;
	v3 =	vadd.f32 v4, v3;
	vm1 =	vge.f32 v1, v8  }
0x19a: {  	v1 =	vnsel vm1, $0x0, v1  }
0x19b: {  	v4 =	vshll.u32 v2, $0x3;
	v1 =	vadd.f32 v1, v3  }
0x19c: {  	v2 =	vand.u32 $0x7F, v2;
	v4 =	vand.u32 $0x7FFFFC00, v4  }
0x19d: {  	v2 =	vor.u32 v2, v4;
	v1 =	vmul.f32 $8.333333580e-02, v1  }
0x19e: {  	s26 =	sadd.s32 $0x10, s26;
	v3 =	vor.u32 $0x80, v2  }
0x19f: {  	[tilespmem:s26+$0x0] =	vst v1  }
0x1a0: {  	v4 =	vor.u32 $0x100, v2;
	v1 =	vld [tilespmem:$0x80]  }
0x1a1: {  	v7 =	vld [tilespmem:$0x100]  }
0x1a2: {  	v6 =	vor.u32 $0x180, v2;
	v5 =	vld.idx.msk [tilespmem:v2+s23+$0x0], $0xffff  }
0x1a3: {  	v3 =	vld.idx.msk [tilespmem:v3+s23+$0x0], $0xffff  }
0x1a4: {  	v8 =	vor.u32 $0x200, v2;
	v9 =	vld [tilespmem:$0x180]  }
0x1a5: {  	v4 =	vld.idx.msk [tilespmem:v4+s23+$0x0], $0xffff  }
0x1a6: {  	v10 =	vor.u32 $0x280, v2;
	v12 =	vld [tilespmem:$0x200]  }
0x1a7: {  	v6 =	vld.idx.msk [tilespmem:v6+s23+$0x0], $0xffff;
	v11 =	vadd.f32 $0.0e+00, v5  }
0x1a8: {  	v13 =	vor.u32 $0x300, v2;
	v47 =	vld [tilespmem:$0x280];
	vm1 =	vge.f32 v5, v1;
	vm2 =	vge.f32 v3, v7  }
0x1a9: {  	v1 =	vld.idx.msk [tilespmem:v8+s23+$0x0], $0xffff;
	v5 =	vnsel vm1, $0x0, v11;
	v3 =	vnsel vm2, $0x0, v3  }
0x1aa: {  	v48 =	vor.u32 $0x380, v2;
	v50 =	vld [tilespmem:$0x300];
	vm1 =	vge.f32 v4, v9;
	v3 =	vadd.f32 v3, v5  }
0x1ab: {  	v49 =	vld.idx.msk [tilespmem:v10+s23+$0x0], $0xffff;
	v4 =	vnsel vm1, $0x0, v4  }
0x1ac: {  	v51 =	vadd.s32 $0x2400, v2;
	v53 =	vld [tilespmem:$0x380];
	vm1 =	vge.f32 v6, v12;
	v3 =	vadd.f32 v4, v3  }
0x1ad: {  	v52 =	vld.idx.msk [tilespmem:v13+s23+$0x0], $0xffff;
	v6 =	vnsel vm1, $0x0, v6  }
0x1ae: {  	v54 =	vadd.s32 $0x2480, v2;
	v56 =	vld [tilespmem:$0x400];
	vm1 =	vge.f32 v1, v47;
	v3 =	vadd.f32 v6, v3  }
0x1af: {  	v55 =	vld.idx.msk [tilespmem:v48+s23+$0x0], $0xffff;
	v1 =	vnsel vm1, $0x0, v1  }
0x1b0: {  	v57 =	vadd.s32 $0x2500, v2;
	v58 =	vld [tilespmem:$0x480];
	vm1 =	vge.f32 v49, v50;
	v1 =	vadd.f32 v1, v3  }
0x1b1: {  	v5 =	vnsel vm1, $0x0, v49;
	v3 =	vld.idx.msk [tilespmem:v51+s23+$0x0], $0xffff  }
0x1b2: {  	v60 =	vld [tilespmem:$0x500];
	v2 =	vadd.s32 $0x2580, v2;
	vm1 =	vge.f32 v52, v53;
	v1 =	vadd.f32 v5, v1  }
0x1b3: {  	v59 =	vld.idx.msk [tilespmem:v54+s23+$0x0], $0xffff;
	v4 =	vnsel vm1, $0x0, v52  }
0x1b4: {  	v62 =	vld [tilespmem:$0x580];
	vm1 =	vge.f32 v55, v56;
	v1 =	vadd.f32 v4, v1  }
0x1b5: {  	v61 =	vld.idx.msk [tilespmem:v57+s23+$0x0], $0xffff;
	v6 =	vnsel vm1, $0x0, v55  }
0x1b6: {  	v63 =	vld [tilespmem:$0x600];
	vm1 =	vge.f32 v3, v58;
	v1 =	vadd.f32 v6, v1  }
0x1b7: {  	v2 =	vld.idx.msk [tilespmem:v2+s23+$0x0], $0xffff;
	v3 =	vnsel vm1, $0x0, v3  }
0x1b8: {  	vm1 =	vge.f32 v59, v60;
	v1 =	vadd.f32 v3, v1  }
0x1b9: {  	v3 =	vnsel vm1, $0x0, v59  }
0x1ba: {  	vm1 =	vge.f32 v61, v62;
	v1 =	vadd.f32 v3, v1  }
0x1bb: {  	v3 =	vnsel vm1, $0x0, v61  }
0x1bc: {  	vm1 =	vge.f32 v2, v63;
	v1 =	vadd.f32 v3, v1  }
0x1bd: {  	v2 =	vnsel vm1, $0x0, v2  }
0x1be: {  	v1 =	vadd.f32 v2, v1;
	_ =	sdelay $0x1  }
0x1bf: {  	s25 =	sadd.s32 $0x1, s25;
	v1 =	vmul.f32 $8.333333580e-02, v1  }
0x1c0: {  	p0 =	sne.s32 s25, s19;
	s26 =	sadd.s32 $0x10, s26  }
.Ltmp1:
0x1c1: {  	[tilespmem:s26+$0x0] =	vst v1;
	(pc) =	sbr.rel @p0 .LBB2_1-.Ltmp1, $4  }
0x1c2: {  	[hbm4b:s18+s22] =	stream.strided.scatter [tilespmem:s24], [sflag:$0x2], $0x400, s1, s22, $0x38;
	[tilespmem:$0x5480] =	vst v63  }
0x1c3: {  	_ =	swait.ge [sflag:s21], $0x400  }
0x1c4: {  	[sflag:s21] =	ssyncset.done $0x0  }
0x1c5: {  	[sflag:s21] =	ssyncadd.s32 $0xFFFFFC00  }
0x1c6: {  	_ =	sfence.sel $0x180000  }
0x1c7: {  	[bflag:$0x0] =	sbarrier.arrive $0xFFFF  }
0x1c8: {  	_ =	strace $0x90000047  }
0x1c9: {  	s0 =	stileid.u32;
	[bflag:$0x2] =	sbarrier.arrive $0xFFFF  }
0x1ca: {  	p0 =	sne.s32 s0, $0x0;
	s0 =	rddreg [dreg:$0x2]  }
0x1cb: {  	s0 =	sadd.s32 @!p0 $0x100000, s0  }
0x1cc: {  	[sflag:s0] =	ssyncadd.tile.s32 @!p0 $0x1;
	_ =	shalt  }
.Lfunc_end2:
_tile_overlayer_lowered:
.L_overlay_start_2:
0x1cd: {  	(tag) =	ssettag $0x2  }
0x1ce: {  	s0 =	rddreg [dreg:$0x0];
	s2 =	stileid.u32  }
0x1cf: {  	s1 =	rddreg [dreg:$0x1];
	p0 =	sne.s32 s2, $0x0  }
0x1d0: {  	s3 =	rddreg [dreg:$0x2];
	[bflag:$0x3] =	sbarrier.arrive $0xFFFF;
	s2 =	simm.s32 @!p0 $0x1C02  }
0x1d1: {  	[timem:s3], [sflag:s2] =	dma.local @!p0 [hbm:s0], s1  }
0x1d2: {  	s0 =	simm.s32 @!p0 $0x2  }
0x1d3: {  	_ =	swait.ge @!p0 [sflag:s0], s1  }
0x1d4: {  	s1 =	ssub.s32 @!p0 $0x0, s1;
	[sflag:s0] =	ssyncset.done @!p0 $0x0  }
0x1d5: {  	[sflag:s0] =	ssyncadd.s32 @!p0 s1  }
0x1d6: {  	[bflag:$0x3] =	sbarrier.arrive $0xFFFF  }
0x1d7: {  	_ =	shalt  }

</sc_bundles>
